<compile_context>
chip_gen: v7x
topology: tpu7x:2x2x1
jax: 0.10.2.dev20260603
libtpu: 0.0.44.dev20260713+nightly
codegen_flags: <defaults>
</compile_context>

<pallas_src>
import jax
import jax.numpy as jnp
from jax import lax
from jax.experimental import pallas as pl
from jax.experimental.pallas import tpu as pltpu
from jax.experimental.pallas import tpu_sc as plsc

B, N, QL, D = 16, 2048, 20, 64
K = 5
L = 16
NCHUNK = N // L
NACC = 4
NPAD = 8

_NEG_INF = float("-inf")


def _sc_body(logits_hbm, idx_hbm, prob_hbm, logit_v, sidx_v, prob8_v):
    c = lax.axis_index("c")
    s = lax.axis_index("s")

    @pl.when(s < 8)
    def _work():
        b = c * 8 + s
        iota = lax.iota(jnp.int32, L)

        pltpu.sync_copy(logits_hbm.at[b], logit_v)

        def pass_body(p, tvti):
            tv_vec, ti_vec = tvti

            def scan_body(i, carry):
                bvs, bis = carry
                nbvs, nbis = [], []
                for a in range(NACC):
                    start = (i * NACC + a) * L
                    v = logit_v[pl.ds(start, L)]
                    gidx = iota + start
                    m = v > bvs[a]
                    nbvs.append(jnp.where(m, v, bvs[a]))
                    nbis.append(jnp.where(m, gidx, bis[a]))
                return (nbvs, nbis)

            init = ([jnp.full((L,), _NEG_INF, jnp.float32)] * NACC,
                    [jnp.zeros((L,), jnp.int32)] * NACC)
            bvs, bis = lax.fori_loop(0, NCHUNK // NACC, scan_body, init)

            def comb(v0, i0, v1, i1):
                m = (v1 > v0) | ((v1 == v0) & (i1 < i0))
                return jnp.where(m, v1, v0), jnp.where(m, i1, i0)

            v01, i01 = comb(bvs[0], bis[0], bvs[1], bis[1])
            v23, i23 = comb(bvs[2], bis[2], bvs[3], bis[3])
            bv, bi = comb(v01, i01, v23, i23)

            mx = jnp.max(bv)
            gi = jnp.min(jnp.where(bv == mx, bi, jnp.int32(N)))

            plsc.store_scatter(logit_v, [jnp.broadcast_to(gi, (L,))],
                               jnp.full((L,), _NEG_INF, jnp.float32),
                               mask=iota == 0)

            return (jnp.where(iota == p, mx, tv_vec),
                    jnp.where(iota == p, gi, ti_vec))

        tv_vec, ti_vec = lax.fori_loop(
            0, K, pass_body,
            (jnp.zeros((L,), jnp.float32), jnp.zeros((L,), jnp.int32)))

        valid = iota < K
        keys = jnp.where(valid, ti_vec, jnp.int32(N) + iota)
        sk, sv = plsc.sort_key_val(keys, tv_vec)

        mval = jnp.max(jnp.where(valid, sv, _NEG_INF))
        e = jnp.where(valid, jnp.exp(sv - mval), 0.0)
        pr = e / jnp.sum(e)

        sk8 = jnp.where(valid, sk, 0)
        plsc.store_scatter(sidx_v, [iota], sk8, mask=iota < NPAD)
        plsc.store_scatter(prob8_v, [iota], pr, mask=iota < NPAD)
        pltpu.sync_copy(sidx_v, idx_hbm.at[pl.ds(b * NPAD, NPAD)])
        pltpu.sync_copy(prob8_v, prob_hbm.at[pl.ds(b * NPAD, NPAD)])


def _build_sc():
    mesh = plsc.VectorSubcoreMesh(core_axis_name="c", subcore_axis_name="s")
    return pl.kernel(
        _sc_body,
        out_type=(jax.ShapeDtypeStruct((B * NPAD,), jnp.int32),
                  jax.ShapeDtypeStruct((B * NPAD,), jnp.float32)),
        mesh=mesh,
        scratch_types=[
            pltpu.VMEM((N,), jnp.float32),
            pltpu.VMEM((NPAD,), jnp.int32),
            pltpu.VMEM((NPAD,), jnp.float32),
        ],
        compiler_params=pltpu.CompilerParams(needs_layout_passes=False,
                                             use_tc_tiling_on_sc=False),
    )


_sc_topk = _build_sc()


_LW = 128


def _tc_body(idx_ref, prob_ref, *refs):
    x_refs = refs[:K]
    d_refs = refs[K:2 * K]
    o_ref = refs[2 * K]
    b = pl.program_id(0)

    nt = (((1,), (1,)), ((), ()))
    acc = None
    ddsum = None
    for j in range(K):
        n = idx_ref[b * NPAD + j]
        lane = lax.rem(n, _LW)
        prob = prob_ref[b * NPAD + j]
        j_row = lax.broadcasted_iota(jnp.int32, (NPAD, _LW), 0) == j
        lane_col = lax.broadcasted_iota(jnp.int32, (NPAD, _LW), 1) == lane
        sel = jnp.where(j_row & lane_col, prob, 0.0)

        x2 = x_refs[j][...].reshape(QL * D, _LW)
        d2 = d_refs[j][...].reshape(QL, _LW)
        y = lax.dot_general(sel, x2, nt, 
                            preferred_element_type=jnp.float32)
        dd = lax.dot_general(sel, d2, nt, 
                             preferred_element_type=jnp.float32)
        acc = y if acc is None else acc + y
        ddsum = dd if ddsum is None else ddsum + dd

    e_row = lax.broadcasted_iota(jnp.int32, (QL, QL * D), 0)
    e_col = lax.broadcasted_iota(jnp.int32, (QL, QL * D), 1)
    expand = jnp.where(e_row == e_col // D, 1.0, 0.0)
    ddfull = jnp.dot(ddsum, expand, 
                     preferred_element_type=jnp.float32)
    o_ref[...] = (acc + ddfull)[:K].reshape(1, K, QL * D)


def _build_tc():
    def _x_map(j):
        return lambda b, idx_ref, prob_ref: (b, 0, 0,
                                             idx_ref[b * NPAD + j] // _LW)

    grid_spec = pltpu.PrefetchScalarGridSpec(
        num_scalar_prefetch=2,
        grid=(B,),
        in_specs=([pl.BlockSpec((1, QL, D, _LW), _x_map(j)) for j in range(K)]
                  + [pl.BlockSpec((1, QL, 1, _LW), _x_map(j))
                     for j in range(K)]),
        out_specs=pl.BlockSpec((1, K, QL * D),
                               lambda b, idx_ref, prob_ref: (b, 0, 0)),
    )
    return pl.pallas_call(
        _tc_body,
        grid_spec=grid_spec,
        out_shape=jax.ShapeDtypeStruct((B, K, QL * D), jnp.float32),
    )


_tc_gather = _build_tc()


def kernel(logits, inputs, dep_hc, k):
    del k
    sidx, probs = _sc_topk(logits)
    x_t = jnp.transpose(inputs, (0, 2, 3, 1))
    d_t = jnp.transpose(dep_hc, (0, 2, 3, 1))
    out = _tc_gather(sidx, probs, *([x_t] * K), *([d_t] * K))
    return out.reshape(B, K, QL, D)

# --- scband reference (transcript-rebuilt; emitter-appended) ---
"""Pipeline reference for scband-model2-88450556494670 (READ-ONLY COPY).

The authoritative reference and input builder live on the scoring server;
editing this copy changes nothing except your own understanding.
"""

import jax, jax.numpy as jnp
import numpy as np

B, N, QL, D = 16, 2048, 20, 64
K = 5


def setup_inputs(seed: int = 0) -> dict:
    key = jax.random.key(seed)
    k1, k2, k3 = jax.random.split(key, 3)
    logits = jax.random.normal(k1, (B, N), dtype=jnp.float32)
    inputs = jax.random.normal(k2, (B, N, QL, D), dtype=jnp.float32)
    dep_hc = jax.random.normal(k3, (B, N, QL, 1), dtype=jnp.float32)
    return {"logits": logits, "inputs": inputs, "dep_hc": dep_hc, "k": K}


def reference(logits, inputs, dep_hc, k):
    # Core of Model2's multi-hop loop: build a top-k byte mask over candidate
    # logits, masked_select the surviving logits (vprev_logits), and gather the
    # corresponding encoder states (inputs) and dependency hidden cells (dep_hc).
    top_vals, top_idx = jax.lax.top_k(logits, K)            # [B, k]
    # torch.masked_select returns elements in ascending index order, so sort
    # the winning indices to reproduce that ordering exactly.
    sorted_idx = jnp.sort(top_idx, axis=1)                   # [B, k]
    sorted_idx = sorted_idx + (jnp.asarray(k, dtype=sorted_idx.dtype) - K)
    prev_logits = jnp.take_along_axis(logits, sorted_idx, axis=1)  # [B, k]
    idx4 = sorted_idx[:, :, None, None]
    sel_inputs = jnp.take_along_axis(inputs, idx4, axis=1)   # [B, k, QL, D]
    sel_dep = jnp.take_along_axis(dep_hc, idx4, axis=1)      # [B, k, QL, 1]
    # final_probs-style renormalization over the surviving beam, combined with
    # the gathered states (models the next-hop ranker input construction).
    probs = jax.nn.softmax(prev_logits, axis=1)              # [B, k]
    out = probs[:, :, None, None] * (sel_inputs + sel_dep)   # [B, k, QL, D]
    return out

if __name__ == "__main__":
    import jax
    _d = setup_inputs()
    print(jax.jit(kernel)(*tuple(_d.values())))

</pallas_src>

<mosaic_0001>
#map = affine_map<(d0, d1) -> (0, 0)>
#map1 = affine_map<(d0, d1) -> (0)>
module attributes {stable_mosaic.version = 14 : i64} {
  func.func @_sc_body(%arg0: i32, %arg1: i32, %arg2: memref<16x2048xf32, #tpu.memory_space<hbm>>, %arg3: memref<128xi32, #tpu.memory_space<hbm>>, %arg4: memref<128xf32, #tpu.memory_space<hbm>>, %arg5: memref<2048xf32, #tpu.memory_space<vmem>>, %arg6: memref<8xi32, #tpu.memory_space<vmem>>, %arg7: memref<8xf32, #tpu.memory_space<vmem>>) attributes {dimension_semantics = [#tpu.dimension_semantics<core_parallel>, #tpu.dimension_semantics<subcore_parallel>], iteration_bounds = array<i64: 2, 16>, scalar_prefetch = 0 : i64, scratch_operands = 3 : i64, tpu.core_type = #tpu.core_type<sc_vector_subcore>, window_params = [{transform_indices = #map}, {transform_indices = #map1}, {transform_indices = #map1}]} {
    %lt3A = arith.constant 8 : i32
    %lt3A_0 = arith.cmpi slt, %arg1, %lt3A : i32
    %convert_element_type3A = arith.extui %lt3A_0 : i1 to i32
    %cond3A = arith.constant 0 : i32
    %cond3A_1 = arith.cmpi ne, %convert_element_type3A, %cond3A : i32
    scf.if %cond3A_1 {
      %mul3A = arith.constant 8 : i32
      %mul3A_2 = arith.muli %arg0, %mul3A : i32
      %add3A = arith.addi %mul3A_2, %arg1 : i32
      %iota3A = tpu.iota {dimensions = array<i32: 0>} : vector<16xi32>
      "tpu.region"() ({
        %run_scoped3A = tpu.sem_alloc : memref<!tpu.dma_semaphore, #tpu.memory_space<semaphore_mem>>
        %dma_start3A = arith.constant 0 : i32
        %dma_start3A_50 = tpu.memref_slice %arg2[%add3A, %dma_start3A] : memref<16x2048xf32, #tpu.memory_space<hbm>> -> memref<1x2048xf32, #tpu.memory_space<hbm>>
        %dma_start3A_51 = tpu.memref_squeeze %dma_start3A_50 : memref<1x2048xf32, #tpu.memory_space<hbm>> -> memref<2048xf32, #tpu.memory_space<hbm>>
        %dma_start3A_52 = arith.constant 0 : i32
        %dma_start3A_53 = tpu.memref_slice %arg2[%add3A, %dma_start3A_52] : memref<16x2048xf32, #tpu.memory_space<hbm>> -> memref<1x2048xf32, #tpu.memory_space<hbm>>
        %dma_start3A_54 = tpu.memref_squeeze %dma_start3A_53 : memref<1x2048xf32, #tpu.memory_space<hbm>> -> memref<2048xf32, #tpu.memory_space<hbm>>
        tpu.enqueue_dma source(%dma_start3A_54 : memref<2048xf32, #tpu.memory_space<hbm>>) target(%arg5 : memref<2048xf32, #tpu.memory_space<vmem>>) target_semaphore(%run_scoped3A : memref<!tpu.dma_semaphore, #tpu.memory_space<semaphore_mem>>)
        %dma_wait3A = arith.constant 0 : i32
        %dma_wait3A_55 = tpu.memref_slice %arg2[%add3A, %dma_wait3A] : memref<16x2048xf32, #tpu.memory_space<hbm>> -> memref<1x2048xf32, #tpu.memory_space<hbm>>
        %dma_wait3A_56 = tpu.memref_squeeze %dma_wait3A_55 : memref<1x2048xf32, #tpu.memory_space<hbm>> -> memref<2048xf32, #tpu.memory_space<hbm>>
        %dma_wait3A_57 = arith.constant 0 : i32
        %dma_wait3A_58 = tpu.memref_slice %arg2[%add3A, %dma_wait3A_57] : memref<16x2048xf32, #tpu.memory_space<hbm>> -> memref<1x2048xf32, #tpu.memory_space<hbm>>
        %dma_wait3A_59 = tpu.memref_squeeze %dma_wait3A_58 : memref<1x2048xf32, #tpu.memory_space<hbm>> -> memref<2048xf32, #tpu.memory_space<hbm>>
        tpu.wait_dma2 semaphore(%run_scoped3A : memref<!tpu.dma_semaphore, #tpu.memory_space<semaphore_mem>>) src(%dma_wait3A_59 : memref<2048xf32, #tpu.memory_space<hbm>>) dst(%arg5 : memref<2048xf32, #tpu.memory_space<vmem>>)
        tpu.yield
      }) : () -> ()
      %broadcast_in_dim3A = arith.constant 0.000000e+00 : f32
      %broadcast_in_dim3A_3 = vector.broadcast %broadcast_in_dim3A : f32 to vector<16xf32>
      %broadcast_in_dim3A_4 = arith.constant 0 : i32
      %broadcast_in_dim3A_5 = vector.broadcast %broadcast_in_dim3A_4 : i32 to vector<16xi32>
      %scan3A = arith.constant 0 : i32
      %scan3A_6 = arith.constant 5 : i32
      %scan3A_7 = arith.addi %scan3A, %scan3A_6 : i32
      %scan3A_8 = arith.constant 1 : i32
      %scan3A_9:2 = scf.for %scan3A_50 = %scan3A to %scan3A_7 step %scan3A_8 iter_args(%scan3A_51 = %broadcast_in_dim3A_3, %scan3A_52 = %broadcast_in_dim3A_5) -> (vector<16xf32>, vector<16xi32>)  : i32 {
        %broadcast_in_dim3A_53 = arith.constant 0xFF800000 : f32
        %broadcast_in_dim3A_54 = vector.broadcast %broadcast_in_dim3A_53 : f32 to vector<16xf32>
        %broadcast_in_dim3A_55 = arith.constant 0 : i32
        %broadcast_in_dim3A_56 = vector.broadcast %broadcast_in_dim3A_55 : i32 to vector<16xi32>
        %scan3A_57 = arith.constant 0 : i32
        %scan3A_58 = arith.constant 32 : i32
        %scan3A_59 = arith.addi %scan3A_57, %scan3A_58 : i32
        %scan3A_60 = arith.constant 1 : i32
        %scan3A_61:8 = scf.for %scan3A_110 = %scan3A_57 to %scan3A_59 step %scan3A_60 iter_args(%scan3A_111 = %broadcast_in_dim3A_54, %scan3A_112 = %broadcast_in_dim3A_54, %scan3A_113 = %broadcast_in_dim3A_54, %scan3A_114 = %broadcast_in_dim3A_54, %scan3A_115 = %broadcast_in_dim3A_56, %scan3A_116 = %broadcast_in_dim3A_56, %scan3A_117 = %broadcast_in_dim3A_56, %scan3A_118 = %broadcast_in_dim3A_56) -> (vector<16xf32>, vector<16xf32>, vector<16xf32>, vector<16xf32>, vector<16xi32>, vector<16xi32>, vector<16xi32>, vector<16xi32>)  : i32 {
          %mul3A_119 = arith.constant 4 : i32
          %mul3A_120 = arith.muli %scan3A_110, %mul3A_119 : i32
          %add3A_121 = arith.constant 0 : i32
          %add3A_122 = arith.addi %mul3A_120, %add3A_121 : i32
          %mul3A_123 = arith.constant 16 : i32
          %mul3A_124 = arith.muli %add3A_122, %mul3A_123 : i32
          %get3A = arith.index_cast %mul3A_124 : i32 to index
          %get3A_125 = tpu.vector_load %arg5[%get3A] {strides = array<i32>} : memref<2048xf32, #tpu.memory_space<vmem>>, vector<16xf32>,
          %add3A_126 = vector.broadcast %mul3A_124 : i32 to vector<16xi32>
          %add3A_127 = arith.addi %iota3A, %add3A_126 : vector<16xi32>
          %gt3A_128 = arith.cmpf ogt, %get3A_125, %scan3A_111 : vector<16xf32>
          %select_n3A_129 = arith.select %gt3A_128, %get3A_125, %scan3A_111 : vector<16xi1>, vector<16xf32>
          %select_n3A_130 = arith.select %gt3A_128, %add3A_127, %scan3A_115 : vector<16xi1>, vector<16xi32>
          %mul3A_131 = arith.constant 4 : i32
          %mul3A_132 = arith.muli %scan3A_110, %mul3A_131 : i32
          %add3A_133 = arith.constant 1 : i32
          %add3A_134 = arith.addi %mul3A_132, %add3A_133 : i32
          %mul3A_135 = arith.constant 16 : i32
          %mul3A_136 = arith.muli %add3A_134, %mul3A_135 : i32
          %get3A_137 = arith.index_cast %mul3A_136 : i32 to index
          %get3A_138 = tpu.vector_load %arg5[%get3A_137] {strides = array<i32>} : memref<2048xf32, #tpu.memory_space<vmem>>, vector<16xf32>,
          %add3A_139 = vector.broadcast %mul3A_136 : i32 to vector<16xi32>
          %add3A_140 = arith.addi %iota3A, %add3A_139 : vector<16xi32>
          %gt3A_141 = arith.cmpf ogt, %get3A_138, %scan3A_112 : vector<16xf32>
          %select_n3A_142 = arith.select %gt3A_141, %get3A_138, %scan3A_112 : vector<16xi1>, vector<16xf32>
          %select_n3A_143 = arith.select %gt3A_141, %add3A_140, %scan3A_116 : vector<16xi1>, vector<16xi32>
          %mul3A_144 = arith.constant 4 : i32
          %mul3A_145 = arith.muli %scan3A_110, %mul3A_144 : i32
          %add3A_146 = arith.constant 2 : i32
          %add3A_147 = arith.addi %mul3A_145, %add3A_146 : i32
          %mul3A_148 = arith.constant 16 : i32
          %mul3A_149 = arith.muli %add3A_147, %mul3A_148 : i32
          %get3A_150 = arith.index_cast %mul3A_149 : i32 to index
          %get3A_151 = tpu.vector_load %arg5[%get3A_150] {strides = array<i32>} : memref<2048xf32, #tpu.memory_space<vmem>>, vector<16xf32>,
          %add3A_152 = vector.broadcast %mul3A_149 : i32 to vector<16xi32>
          %add3A_153 = arith.addi %iota3A, %add3A_152 : vector<16xi32>
          %gt3A_154 = arith.cmpf ogt, %get3A_151, %scan3A_113 : vector<16xf32>
          %select_n3A_155 = arith.select %gt3A_154, %get3A_151, %scan3A_113 : vector<16xi1>, vector<16xf32>
          %select_n3A_156 = arith.select %gt3A_154, %add3A_153, %scan3A_117 : vector<16xi1>, vector<16xi32>
          %mul3A_157 = arith.constant 4 : i32
          %mul3A_158 = arith.muli %scan3A_110, %mul3A_157 : i32
          %add3A_159 = arith.constant 3 : i32
          %add3A_160 = arith.addi %mul3A_158, %add3A_159 : i32
          %mul3A_161 = arith.constant 16 : i32
          %mul3A_162 = arith.muli %add3A_160, %mul3A_161 : i32
          %get3A_163 = arith.index_cast %mul3A_162 : i32 to index
          %get3A_164 = tpu.vector_load %arg5[%get3A_163] {strides = array<i32>} : memref<2048xf32, #tpu.memory_space<vmem>>, vector<16xf32>,
          %add3A_165 = vector.broadcast %mul3A_162 : i32 to vector<16xi32>
          %add3A_166 = arith.addi %iota3A, %add3A_165 : vector<16xi32>
          %gt3A_167 = arith.cmpf ogt, %get3A_164, %scan3A_114 : vector<16xf32>
          %select_n3A_168 = arith.select %gt3A_167, %get3A_164, %scan3A_114 : vector<16xi1>, vector<16xf32>
          %select_n3A_169 = arith.select %gt3A_167, %add3A_166, %scan3A_118 : vector<16xi1>, vector<16xi32>
          scf.yield %select_n3A_129, %select_n3A_142, %select_n3A_155, %select_n3A_168, %select_n3A_130, %select_n3A_143, %select_n3A_156, %select_n3A_169 : vector<16xf32>, vector<16xf32>, vector<16xf32>, vector<16xf32>, vector<16xi32>, vector<16xi32>, vector<16xi32>, vector<16xi32>
        }
        %scan3A_62 = arith.constant 32 : i32
        %gt3A = arith.cmpf ogt, %scan3A_61#1, %scan3A_61#0 : vector<16xf32>
        %eq3A = arith.cmpf oeq, %scan3A_61#1, %scan3A_61#0 : vector<16xf32>
        %lt3A_63 = arith.cmpi slt, %scan3A_61#5, %scan3A_61#4 : vector<16xi32>
        %and3A = arith.andi %eq3A, %lt3A_63 : vector<16xi1>
        %or3A = arith.ori %gt3A, %and3A : vector<16xi1>
        %select_n3A_64 = arith.select %or3A, %scan3A_61#1, %scan3A_61#0 : vector<16xi1>, vector<16xf32>
        %select_n3A_65 = arith.select %or3A, %scan3A_61#5, %scan3A_61#4 : vector<16xi1>, vector<16xi32>
        %gt3A_66 = arith.cmpf ogt, %scan3A_61#3, %scan3A_61#2 : vector<16xf32>
        %eq3A_67 = arith.cmpf oeq, %scan3A_61#3, %scan3A_61#2 : vector<16xf32>
        %lt3A_68 = arith.cmpi slt, %scan3A_61#7, %scan3A_61#6 : vector<16xi32>
        %and3A_69 = arith.andi %eq3A_67, %lt3A_68 : vector<16xi1>
        %or3A_70 = arith.ori %gt3A_66, %and3A_69 : vector<16xi1>
        %select_n3A_71 = arith.select %or3A_70, %scan3A_61#3, %scan3A_61#2 : vector<16xi1>, vector<16xf32>
        %select_n3A_72 = arith.select %or3A_70, %scan3A_61#7, %scan3A_61#6 : vector<16xi1>, vector<16xi32>
        %gt3A_73 = arith.cmpf ogt, %select_n3A_71, %select_n3A_64 : vector<16xf32>
        %eq3A_74 = arith.cmpf oeq, %select_n3A_71, %select_n3A_64 : vector<16xf32>
        %lt3A_75 = arith.cmpi slt, %select_n3A_72, %select_n3A_65 : vector<16xi32>
        %and3A_76 = arith.andi %eq3A_74, %lt3A_75 : vector<16xi1>
        %or3A_77 = arith.ori %gt3A_73, %and3A_76 : vector<16xi1>
        %select_n3A_78 = arith.select %or3A_77, %select_n3A_71, %select_n3A_64 : vector<16xi1>, vector<16xf32>
        %select_n3A_79 = arith.select %or3A_77, %select_n3A_72, %select_n3A_65 : vector<16xi1>, vector<16xi32>
        %reduce_max3A_80 = arith.constant true
        %reduce_max3A_81 = vector.broadcast %reduce_max3A_80 : i1 to vector<16xi1>
        %reduce_max3A_82 = tpu.scan <max>, %select_n3A_78 masked %reduce_max3A_81 : vector<16xf32>, vector<16xi1> -> vector<16xf32>
        %reduce_max3A_83 = vector.extract %reduce_max3A_82[15] : f32 from vector<16xf32>
        %eq3A_84 = vector.broadcast %reduce_max3A_83 : f32 to vector<16xf32>
        %eq3A_85 = arith.cmpf oeq, %select_n3A_78, %eq3A_84 : vector<16xf32>
        %jit3A_86 = arith.constant 2048 : i32
        %broadcast_in_dim3A_87 = vector.broadcast %jit3A_86 : i32 to vector<16xi32>
        %select_n3A_88 = arith.select %eq3A_85, %select_n3A_79, %broadcast_in_dim3A_87 : vector<16xi1>, vector<16xi32>
        %reduce_min3A = arith.constant true
        %reduce_min3A_89 = vector.broadcast %reduce_min3A : i1 to vector<16xi1>
        %reduce_min3A_90 = arith.constant -2147483648 : i32
        %reduce_min3A_91 = vector.broadcast %reduce_min3A_90 : i32 to vector<16xi32>
        %reduce_min3A_92 = arith.xori %select_n3A_88, %reduce_min3A_91 : vector<16xi32>
        %reduce_min3A_93 = tpu.scan <min>, %reduce_min3A_92 masked %reduce_min3A_89 : vector<16xi32>, vector<16xi1> -> vector<16xi32>
        %reduce_min3A_94 = arith.xori %reduce_min3A_93, %reduce_min3A_91 : vector<16xi32>
        %reduce_min3A_95 = vector.extract %reduce_min3A_94[15] : i32 from vector<16xi32>
        %broadcast_in_dim3A_96 = vector.broadcast %reduce_min3A_95 : i32 to vector<16xi32>
        %broadcast_in_dim3A_97 = arith.constant 0xFF800000 : f32
        %broadcast_in_dim3A_98 = vector.broadcast %broadcast_in_dim3A_97 : f32 to vector<16xf32>
        %eq3A_99 = arith.constant 0 : i32
        %eq3A_100 = vector.broadcast %eq3A_99 : i32 to vector<16xi32>
        %eq3A_101 = arith.cmpi eq, %iota3A, %eq3A_100 : vector<16xi32>
        tpu.vector_store_idx %arg5[%broadcast_in_dim3A_96], %broadcast_in_dim3A_98 masked %eq3A_101 : memref<2048xf32, #tpu.memory_space<vmem>>[vector<16xi32>], vector<16xf32>, vector<16xi1>
        %eq3A_102 = vector.broadcast %scan3A_50 : i32 to vector<16xi32>
        %eq3A_103 = arith.cmpi eq, %iota3A, %eq3A_102 : vector<16xi32>
        %broadcast_in_dim3A_104 = vector.broadcast %reduce_max3A_83 : f32 to vector<16xf32>
        %select_n3A_105 = arith.select %eq3A_103, %broadcast_in_dim3A_104, %scan3A_51 : vector<16xi1>, vector<16xf32>
        %eq3A_106 = vector.broadcast %scan3A_50 : i32 to vector<16xi32>
        %eq3A_107 = arith.cmpi eq, %iota3A, %eq3A_106 : vector<16xi32>
        %broadcast_in_dim3A_108 = vector.broadcast %reduce_min3A_95 : i32 to vector<16xi32>
        %select_n3A_109 = arith.select %eq3A_107, %broadcast_in_dim3A_108, %scan3A_52 : vector<16xi1>, vector<16xi32>
        scf.yield %select_n3A_105, %select_n3A_109 : vector<16xf32>, vector<16xi32>
      }
      %scan3A_10 = arith.constant 5 : i32
      %lt3A_11 = arith.constant 5 : i32
      %lt3A_12 = vector.broadcast %lt3A_11 : i32 to vector<16xi32>
      %lt3A_13 = arith.cmpi slt, %iota3A, %lt3A_12 : vector<16xi32>
      %add3A_14 = arith.constant 2048 : i32
      %add3A_15 = vector.broadcast %add3A_14 : i32 to vector<16xi32>
      %add3A_16 = arith.addi %add3A_15, %iota3A : vector<16xi32>
      %select_n3A = arith.select %lt3A_13, %scan3A_9#1, %add3A_16 : vector<16xi1>, vector<16xi32>
      %masked_sort3A = arith.constant dense<true> : vector<16xi1>
      %masked_sort3A_17 = arith.constant -2147483648 : i32
      %masked_sort3A_18 = vector.broadcast %masked_sort3A_17 : i32 to vector<16xi32>
      %masked_sort3A_19 = arith.xori %select_n3A, %masked_sort3A_18 : vector<16xi32>
      %masked_sort3A_20, %masked_sort3A_21, %masked_sort3A_22 = tpu.sort %masked_sort3A_19, %scan3A_9#0 masked %masked_sort3A : (vector<16xi32>, vector<16xf32>, vector<16xi1>) -> (vector<16xi1>, vector<16xi32>, vector<16xf32>)
      %masked_sort3A_23 = arith.xori %masked_sort3A_21, %masked_sort3A_18 : vector<16xi32>
      %jit3A = arith.constant 0xFF800000 : f32
      %broadcast_in_dim3A_24 = vector.broadcast %jit3A : f32 to vector<16xf32>
      %select_n3A_25 = arith.select %lt3A_13, %masked_sort3A_22, %broadcast_in_dim3A_24 : vector<16xi1>, vector<16xf32>
      %reduce_max3A = arith.constant true
      %reduce_max3A_26 = vector.broadcast %reduce_max3A : i1 to vector<16xi1>
      %reduce_max3A_27 = tpu.scan <max>, %select_n3A_25 masked %reduce_max3A_26 : vector<16xf32>, vector<16xi1> -> vector<16xf32>
      %reduce_max3A_28 = vector.extract %reduce_max3A_27[15] : f32 from vector<16xf32>
      %sub3A = vector.broadcast %reduce_max3A_28 : f32 to vector<16xf32>
      %sub3A_29 = arith.subf %masked_sort3A_22, %sub3A : vector<16xf32>
      %exp3A = math.exp %sub3A_29 : vector<16xf32>
      %jit3A_30 = arith.constant 0.000000e+00 : f32
      %broadcast_in_dim3A_31 = vector.broadcast %jit3A_30 : f32 to vector<16xf32>
      %select_n3A_32 = arith.select %lt3A_13, %exp3A, %broadcast_in_dim3A_31 : vector<16xi1>, vector<16xf32>
      %reduce_sum3A = arith.constant true
      %reduce_sum3A_33 = vector.broadcast %reduce_sum3A : i1 to vector<16xi1>
      %reduce_sum3A_34 = tpu.scan <sum>, %select_n3A_32 masked %reduce_sum3A_33 : vector<16xf32>, vector<16xi1> -> vector<16xf32>
      %reduce_sum3A_35 = vector.extract %reduce_sum3A_34[15] : f32 from vector<16xf32>
      %div3A = vector.broadcast %reduce_sum3A_35 : f32 to vector<16xf32>
      %div3A_36 = arith.divf %select_n3A_32, %div3A : vector<16xf32>
      %jit3A_37 = arith.constant 0 : i32
      %broadcast_in_dim3A_38 = vector.broadcast %jit3A_37 : i32 to vector<16xi32>
      %select_n3A_39 = arith.select %lt3A_13, %masked_sort3A_23, %broadcast_in_dim3A_38 : vector<16xi1>, vector<16xi32>
      %lt3A_40 = arith.constant 8 : i32
      %lt3A_41 = vector.broadcast %lt3A_40 : i32 to vector<16xi32>
      %lt3A_42 = arith.cmpi slt, %iota3A, %lt3A_41 : vector<16xi32>
      tpu.vector_store_idx %arg6[%iota3A], %select_n3A_39 masked %lt3A_42 : memref<8xi32, #tpu.memory_space<vmem>>[vector<16xi32>], vector<16xi32>, vector<16xi1>
      %lt3A_43 = arith.constant 8 : i32
      %lt3A_44 = vector.broadcast %lt3A_43 : i32 to vector<16xi32>
      %lt3A_45 = arith.cmpi slt, %iota3A, %lt3A_44 : vector<16xi32>
      tpu.vector_store_idx %arg7[%iota3A], %div3A_36 masked %lt3A_45 : memref<8xf32, #tpu.memory_space<vmem>>[vector<16xi32>], vector<16xf32>, vector<16xi1>
      %mul3A_46 = arith.constant 8 : i32
      %mul3A_47 = arith.muli %add3A, %mul3A_46 : i32
      "tpu.region"() ({
        %run_scoped3A = tpu.sem_alloc : memref<!tpu.dma_semaphore, #tpu.memory_space<semaphore_mem>>
        %dma_start3A = tpu.memref_slice %arg3[%mul3A_47] : memref<128xi32, #tpu.memory_space<hbm>> -> memref<8xi32, #tpu.memory_space<hbm>>
        %dma_start3A_50 = tpu.memref_slice %arg3[%mul3A_47] : memref<128xi32, #tpu.memory_space<hbm>> -> memref<8xi32, #tpu.memory_space<hbm>>
        tpu.enqueue_dma source(%arg6 : memref<8xi32, #tpu.memory_space<vmem>>) target(%dma_start3A_50 : memref<8xi32, #tpu.memory_space<hbm>>) target_semaphore(%run_scoped3A : memref<!tpu.dma_semaphore, #tpu.memory_space<semaphore_mem>>)
        %dma_wait3A = tpu.memref_slice %arg3[%mul3A_47] : memref<128xi32, #tpu.memory_space<hbm>> -> memref<8xi32, #tpu.memory_space<hbm>>
        %dma_wait3A_51 = tpu.memref_slice %arg3[%mul3A_47] : memref<128xi32, #tpu.memory_space<hbm>> -> memref<8xi32, #tpu.memory_space<hbm>>
        tpu.wait_dma2 semaphore(%run_scoped3A : memref<!tpu.dma_semaphore, #tpu.memory_space<semaphore_mem>>) src(%arg6 : memref<8xi32, #tpu.memory_space<vmem>>) dst(%dma_wait3A_51 : memref<8xi32, #tpu.memory_space<hbm>>)
        tpu.yield
      }) : () -> ()
      %mul3A_48 = arith.constant 8 : i32
      %mul3A_49 = arith.muli %add3A, %mul3A_48 : i32
      "tpu.region"() ({
        %run_scoped3A = tpu.sem_alloc : memref<!tpu.dma_semaphore, #tpu.memory_space<semaphore_mem>>
        %dma_start3A = tpu.memref_slice %arg4[%mul3A_49] : memref<128xf32, #tpu.memory_space<hbm>> -> memref<8xf32, #tpu.memory_space<hbm>>
        %dma_start3A_50 = tpu.memref_slice %arg4[%mul3A_49] : memref<128xf32, #tpu.memory_space<hbm>> -> memref<8xf32, #tpu.memory_space<hbm>>
        tpu.enqueue_dma source(%arg7 : memref<8xf32, #tpu.memory_space<vmem>>) target(%dma_start3A_50 : memref<8xf32, #tpu.memory_space<hbm>>) target_semaphore(%run_scoped3A : memref<!tpu.dma_semaphore, #tpu.memory_space<semaphore_mem>>)
        %dma_wait3A = tpu.memref_slice %arg4[%mul3A_49] : memref<128xf32, #tpu.memory_space<hbm>> -> memref<8xf32, #tpu.memory_space<hbm>>
        %dma_wait3A_51 = tpu.memref_slice %arg4[%mul3A_49] : memref<128xf32, #tpu.memory_space<hbm>> -> memref<8xf32, #tpu.memory_space<hbm>>
        tpu.wait_dma2 semaphore(%run_scoped3A : memref<!tpu.dma_semaphore, #tpu.memory_space<semaphore_mem>>) src(%arg7 : memref<8xf32, #tpu.memory_space<vmem>>) dst(%dma_wait3A_51 : memref<8xf32, #tpu.memory_space<hbm>>)
        tpu.yield
      }) : () -> ()
    } else {
    }
    return
  }
}

module attributes {stable_mosaic.version = 14 : i64} {
  func.func @_tc_body(%arg0: i32, %arg1: memref<128xi32, #tpu.memory_space<smem>>, %arg2: memref<128xf32, #tpu.memory_space<smem>>, %arg3: memref<1x20x64x128xf32, #tpu.memory_space<vmem>>, %arg4: memref<1x20x64x128xf32, #tpu.memory_space<vmem>>, %arg5: memref<1x20x64x128xf32, #tpu.memory_space<vmem>>, %arg6: memref<1x20x64x128xf32, #tpu.memory_space<vmem>>, %arg7: memref<1x20x64x128xf32, #tpu.memory_space<vmem>>, %arg8: memref<1x20x1x128xf32, #tpu.memory_space<vmem>>, %arg9: memref<1x20x1x128xf32, #tpu.memory_space<vmem>>, %arg10: memref<1x20x1x128xf32, #tpu.memory_space<vmem>>, %arg11: memref<1x20x1x128xf32, #tpu.memory_space<vmem>>, %arg12: memref<1x20x1x128xf32, #tpu.memory_space<vmem>>, %arg13: memref<1x5x1280xf32, #tpu.memory_space<vmem>>) attributes {dimension_semantics = [#tpu.dimension_semantics<arbitrary>], iteration_bounds = array<i64: 16>, scalar_prefetch = 2 : i64, scratch_operands = 0 : i64, tpu.core_type = #tpu.core_type<tc>, window_params = [{transform_indices = @transform_0, window_bounds = array<i64: 1, 20, 64, 128>}, {transform_indices = @transform_1, window_bounds = array<i64: 1, 20, 64, 128>}, {transform_indices = @transform_2, window_bounds = array<i64: 1, 20, 64, 128>}, {transform_indices = @transform_3, window_bounds = array<i64: 1, 20, 64, 128>}, {transform_indices = @transform_4, window_bounds = array<i64: 1, 20, 64, 128>}, {transform_indices = @transform_5, window_bounds = array<i64: 1, 20, 1, 128>}, {transform_indices = @transform_6, window_bounds = array<i64: 1, 20, 1, 128>}, {transform_indices = @transform_7, window_bounds = array<i64: 1, 20, 1, 128>}, {transform_indices = @transform_8, window_bounds = array<i64: 1, 20, 1, 128>}, {transform_indices = @transform_9, window_bounds = array<i64: 1, 20, 1, 128>}, {transform_indices = @transform_10, window_bounds = array<i64: 1, 5, 1280>}]} {
    %mul3A = arith.constant 8 : i32
    %mul3A_0 = arith.muli %arg0, %mul3A : i32
    %add3A = arith.constant 0 : i32
    %add3A_1 = arith.addi %mul3A_0, %add3A : i32
    %get3A = arith.index_cast %add3A_1 : i32 to index
    %get3A_2 = memref.load %arg1[%get3A] : memref<128xi32, #tpu.memory_space<smem>>
    %rem3A = arith.constant 128 : i32
    %rem3A_3 = arith.remsi %get3A_2, %rem3A : i32
    %mul3A_4 = arith.constant 8 : i32
    %mul3A_5 = arith.muli %arg0, %mul3A_4 : i32
    %add3A_6 = arith.constant 0 : i32
    %add3A_7 = arith.addi %mul3A_5, %add3A_6 : i32
    %get3A_8 = arith.index_cast %add3A_7 : i32 to index
    %get3A_9 = memref.load %arg2[%get3A_8] : memref<128xf32, #tpu.memory_space<smem>>
    %iota3A = tpu.iota {dimensions = array<i32: 0>} : vector<8x128xi32>
    %eq3A = arith.constant 0 : i32
    %eq3A_10 = vector.broadcast %eq3A : i32 to vector<8x128xi32>
    %eq3A_11 = arith.cmpi eq, %iota3A, %eq3A_10 : vector<8x128xi32>
    %iota3A_12 = tpu.iota {dimensions = array<i32: 1>} : vector<8x128xi32>
    %eq3A_13 = vector.broadcast %rem3A_3 : i32 to vector<8x128xi32>
    %eq3A_14 = arith.cmpi eq, %iota3A_12, %eq3A_13 : vector<8x128xi32>
    %and3A = arith.andi %eq3A_11, %eq3A_14 : vector<8x128xi1>
    %jit3A = arith.constant 0.000000e+00 : f32
    %broadcast_in_dim3A = vector.broadcast %get3A_9 : f32 to vector<8x128xf32>
    %broadcast_in_dim3A_15 = vector.broadcast %jit3A : f32 to vector<8x128xf32>
    %select_n3A = arith.select %and3A, %broadcast_in_dim3A, %broadcast_in_dim3A_15 : vector<8x128xi1>, vector<8x128xf32>
    %get3A_16 = arith.constant 0 : index
    %get3A_17 = arith.constant 0 : index
    %get3A_18 = arith.constant 0 : index
    %get3A_19 = arith.constant 0 : index
    %get3A_20 = vector.load %arg3[%get3A_16, %get3A_17, %get3A_18, %get3A_19] : memref<1x20x64x128xf32, #tpu.memory_space<vmem>>, vector<1x20x64x128xf32>
    %reshape3A = vector.shape_cast %get3A_20 : vector<1x20x64x128xf32> to vector<1280x128xf32>
    %get3A_21 = arith.constant 0 : index
    %get3A_22 = arith.constant 0 : index
    %get3A_23 = arith.constant 0 : index
    %get3A_24 = arith.constant 0 : index
    %get3A_25 = vector.load %arg8[%get3A_21, %get3A_22, %get3A_23, %get3A_24] : memref<1x20x1x128xf32, #tpu.memory_space<vmem>>, vector<1x20x1x128xf32>
    %reshape3A_26 = vector.shape_cast %get3A_25 : vector<1x20x1x128xf32> to vector<20x128xf32>
    %dot_general3A = arith.constant dense<0.000000e+00> : vector<8x1280xf32>
    %dot_general3A_27 = tpu.matmul %select_n3A, %reshape3A, %dot_general3A {dimension_numbers = #tpu.dot_dimension_numbers<[1], [1], [0], [0], [0, 0, 1, 0], [], []>, transpose_lhs_hint = false} : vector<8x128xf32>, vector<1280x128xf32>, vector<8x1280xf32> -> vector<8x1280xf32>
    %dot_general3A_28 = arith.constant dense<0.000000e+00> : vector<8x20xf32>
    %dot_general3A_29 = tpu.matmul %select_n3A, %reshape3A_26, %dot_general3A_28 {dimension_numbers = #tpu.dot_dimension_numbers<[1], [1], [0], [0], [0, 0, 1, 0], [], []>, transpose_lhs_hint = false} : vector<8x128xf32>, vector<20x128xf32>, vector<8x20xf32> -> vector<8x20xf32>
    %mul3A_30 = arith.constant 8 : i32
    %mul3A_31 = arith.muli %arg0, %mul3A_30 : i32
    %add3A_32 = arith.constant 1 : i32
    %add3A_33 = arith.addi %mul3A_31, %add3A_32 : i32
    %get3A_34 = arith.index_cast %add3A_33 : i32 to index
    %get3A_35 = memref.load %arg1[%get3A_34] : memref<128xi32, #tpu.memory_space<smem>>
    %rem3A_36 = arith.constant 128 : i32
    %rem3A_37 = arith.remsi %get3A_35, %rem3A_36 : i32
    %mul3A_38 = arith.constant 8 : i32
    %mul3A_39 = arith.muli %arg0, %mul3A_38 : i32
    %add3A_40 = arith.constant 1 : i32
    %add3A_41 = arith.addi %mul3A_39, %add3A_40 : i32
    %get3A_42 = arith.index_cast %add3A_41 : i32 to index
    %get3A_43 = memref.load %arg2[%get3A_42] : memref<128xf32, #tpu.memory_space<smem>>
    %iota3A_44 = tpu.iota {dimensions = array<i32: 0>} : vector<8x128xi32>
    %eq3A_45 = arith.constant 1 : i32
    %eq3A_46 = vector.broadcast %eq3A_45 : i32 to vector<8x128xi32>
    %eq3A_47 = arith.cmpi eq, %iota3A_44, %eq3A_46 : vector<8x128xi32>
    %iota3A_48 = tpu.iota {dimensions = array<i32: 1>} : vector<8x128xi32>
    %eq3A_49 = vector.broadcast %rem3A_37 : i32 to vector<8x128xi32>
    %eq3A_50 = arith.cmpi eq, %iota3A_48, %eq3A_49 : vector<8x128xi32>
    %and3A_51 = arith.andi %eq3A_47, %eq3A_50 : vector<8x128xi1>
    %jit3A_52 = arith.constant 0.000000e+00 : f32
    %broadcast_in_dim3A_53 = vector.broadcast %get3A_43 : f32 to vector<8x128xf32>
    %broadcast_in_dim3A_54 = vector.broadcast %jit3A_52 : f32 to vector<8x128xf32>
    %select_n3A_55 = arith.select %and3A_51, %broadcast_in_dim3A_53, %broadcast_in_dim3A_54 : vector<8x128xi1>, vector<8x128xf32>
    %get3A_56 = arith.constant 0 : index
    %get3A_57 = arith.constant 0 : index
    %get3A_58 = arith.constant 0 : index
    %get3A_59 = arith.constant 0 : index
    %get3A_60 = vector.load %arg4[%get3A_56, %get3A_57, %get3A_58, %get3A_59] : memref<1x20x64x128xf32, #tpu.memory_space<vmem>>, vector<1x20x64x128xf32>
    %reshape3A_61 = vector.shape_cast %get3A_60 : vector<1x20x64x128xf32> to vector<1280x128xf32>
    %get3A_62 = arith.constant 0 : index
    %get3A_63 = arith.constant 0 : index
    %get3A_64 = arith.constant 0 : index
    %get3A_65 = arith.constant 0 : index
    %get3A_66 = vector.load %arg9[%get3A_62, %get3A_63, %get3A_64, %get3A_65] : memref<1x20x1x128xf32, #tpu.memory_space<vmem>>, vector<1x20x1x128xf32>
    %reshape3A_67 = vector.shape_cast %get3A_66 : vector<1x20x1x128xf32> to vector<20x128xf32>
    %dot_general3A_68 = arith.constant dense<0.000000e+00> : vector<8x1280xf32>
    %dot_general3A_69 = tpu.matmul %select_n3A_55, %reshape3A_61, %dot_general3A_68 {dimension_numbers = #tpu.dot_dimension_numbers<[1], [1], [0], [0], [0, 0, 1, 0], [], []>, transpose_lhs_hint = false} : vector<8x128xf32>, vector<1280x128xf32>, vector<8x1280xf32> -> vector<8x1280xf32>
    %dot_general3A_70 = arith.constant dense<0.000000e+00> : vector<8x20xf32>
    %dot_general3A_71 = tpu.matmul %select_n3A_55, %reshape3A_67, %dot_general3A_70 {dimension_numbers = #tpu.dot_dimension_numbers<[1], [1], [0], [0], [0, 0, 1, 0], [], []>, transpose_lhs_hint = false} : vector<8x128xf32>, vector<20x128xf32>, vector<8x20xf32> -> vector<8x20xf32>
    %add3A_72 = arith.addf %dot_general3A_27, %dot_general3A_69 : vector<8x1280xf32>
    %add3A_73 = arith.addf %dot_general3A_29, %dot_general3A_71 : vector<8x20xf32>
    %mul3A_74 = arith.constant 8 : i32
    %mul3A_75 = arith.muli %arg0, %mul3A_74 : i32
    %add3A_76 = arith.constant 2 : i32
    %add3A_77 = arith.addi %mul3A_75, %add3A_76 : i32
    %get3A_78 = arith.index_cast %add3A_77 : i32 to index
    %get3A_79 = memref.load %arg1[%get3A_78] : memref<128xi32, #tpu.memory_space<smem>>
    %rem3A_80 = arith.constant 128 : i32
    %rem3A_81 = arith.remsi %get3A_79, %rem3A_80 : i32
    %mul3A_82 = arith.constant 8 : i32
    %mul3A_83 = arith.muli %arg0, %mul3A_82 : i32
    %add3A_84 = arith.constant 2 : i32
    %add3A_85 = arith.addi %mul3A_83, %add3A_84 : i32
    %get3A_86 = arith.index_cast %add3A_85 : i32 to index
    %get3A_87 = memref.load %arg2[%get3A_86] : memref<128xf32, #tpu.memory_space<smem>>
    %iota3A_88 = tpu.iota {dimensions = array<i32: 0>} : vector<8x128xi32>
    %eq3A_89 = arith.constant 2 : i32
    %eq3A_90 = vector.broadcast %eq3A_89 : i32 to vector<8x128xi32>
    %eq3A_91 = arith.cmpi eq, %iota3A_88, %eq3A_90 : vector<8x128xi32>
    %iota3A_92 = tpu.iota {dimensions = array<i32: 1>} : vector<8x128xi32>
    %eq3A_93 = vector.broadcast %rem3A_81 : i32 to vector<8x128xi32>
    %eq3A_94 = arith.cmpi eq, %iota3A_92, %eq3A_93 : vector<8x128xi32>
    %and3A_95 = arith.andi %eq3A_91, %eq3A_94 : vector<8x128xi1>
    %jit3A_96 = arith.constant 0.000000e+00 : f32
    %broadcast_in_dim3A_97 = vector.broadcast %get3A_87 : f32 to vector<8x128xf32>
    %broadcast_in_dim3A_98 = vector.broadcast %jit3A_96 : f32 to vector<8x128xf32>
    %select_n3A_99 = arith.select %and3A_95, %broadcast_in_dim3A_97, %broadcast_in_dim3A_98 : vector<8x128xi1>, vector<8x128xf32>
    %get3A_100 = arith.constant 0 : index
    %get3A_101 = arith.constant 0 : index
    %get3A_102 = arith.constant 0 : index
    %get3A_103 = arith.constant 0 : index
    %get3A_104 = vector.load %arg5[%get3A_100, %get3A_101, %get3A_102, %get3A_103] : memref<1x20x64x128xf32, #tpu.memory_space<vmem>>, vector<1x20x64x128xf32>
    %reshape3A_105 = vector.shape_cast %get3A_104 : vector<1x20x64x128xf32> to vector<1280x128xf32>
    %get3A_106 = arith.constant 0 : index
    %get3A_107 = arith.constant 0 : index
    %get3A_108 = arith.constant 0 : index
    %get3A_109 = arith.constant 0 : index
    %get3A_110 = vector.load %arg10[%get3A_106, %get3A_107, %get3A_108, %get3A_109] : memref<1x20x1x128xf32, #tpu.memory_space<vmem>>, vector<1x20x1x128xf32>
    %reshape3A_111 = vector.shape_cast %get3A_110 : vector<1x20x1x128xf32> to vector<20x128xf32>
    %dot_general3A_112 = arith.constant dense<0.000000e+00> : vector<8x1280xf32>
    %dot_general3A_113 = tpu.matmul %select_n3A_99, %reshape3A_105, %dot_general3A_112 {dimension_numbers = #tpu.dot_dimension_numbers<[1], [1], [0], [0], [0, 0, 1, 0], [], []>, transpose_lhs_hint = false} : vector<8x128xf32>, vector<1280x128xf32>, vector<8x1280xf32> -> vector<8x1280xf32>
    %dot_general3A_114 = arith.constant dense<0.000000e+00> : vector<8x20xf32>
    %dot_general3A_115 = tpu.matmul %select_n3A_99, %reshape3A_111, %dot_general3A_114 {dimension_numbers = #tpu.dot_dimension_numbers<[1], [1], [0], [0], [0, 0, 1, 0], [], []>, transpose_lhs_hint = false} : vector<8x128xf32>, vector<20x128xf32>, vector<8x20xf32> -> vector<8x20xf32>
    %add3A_116 = arith.addf %add3A_72, %dot_general3A_113 : vector<8x1280xf32>
    %add3A_117 = arith.addf %add3A_73, %dot_general3A_115 : vector<8x20xf32>
    %mul3A_118 = arith.constant 8 : i32
    %mul3A_119 = arith.muli %arg0, %mul3A_118 : i32
    %add3A_120 = arith.constant 3 : i32
    %add3A_121 = arith.addi %mul3A_119, %add3A_120 : i32
    %get3A_122 = arith.index_cast %add3A_121 : i32 to index
    %get3A_123 = memref.load %arg1[%get3A_122] : memref<128xi32, #tpu.memory_space<smem>>
    %rem3A_124 = arith.constant 128 : i32
    %rem3A_125 = arith.remsi %get3A_123, %rem3A_124 : i32
    %mul3A_126 = arith.constant 8 : i32
    %mul3A_127 = arith.muli %arg0, %mul3A_126 : i32
    %add3A_128 = arith.constant 3 : i32
    %add3A_129 = arith.addi %mul3A_127, %add3A_128 : i32
    %get3A_130 = arith.index_cast %add3A_129 : i32 to index
    %get3A_131 = memref.load %arg2[%get3A_130] : memref<128xf32, #tpu.memory_space<smem>>
    %iota3A_132 = tpu.iota {dimensions = array<i32: 0>} : vector<8x128xi32>
    %eq3A_133 = arith.constant 3 : i32
    %eq3A_134 = vector.broadcast %eq3A_133 : i32 to vector<8x128xi32>
    %eq3A_135 = arith.cmpi eq, %iota3A_132, %eq3A_134 : vector<8x128xi32>
    %iota3A_136 = tpu.iota {dimensions = array<i32: 1>} : vector<8x128xi32>
    %eq3A_137 = vector.broadcast %rem3A_125 : i32 to vector<8x128xi32>
    %eq3A_138 = arith.cmpi eq, %iota3A_136, %eq3A_137 : vector<8x128xi32>
    %and3A_139 = arith.andi %eq3A_135, %eq3A_138 : vector<8x128xi1>
    %jit3A_140 = arith.constant 0.000000e+00 : f32
    %broadcast_in_dim3A_141 = vector.broadcast %get3A_131 : f32 to vector<8x128xf32>
    %broadcast_in_dim3A_142 = vector.broadcast %jit3A_140 : f32 to vector<8x128xf32>
    %select_n3A_143 = arith.select %and3A_139, %broadcast_in_dim3A_141, %broadcast_in_dim3A_142 : vector<8x128xi1>, vector<8x128xf32>
    %get3A_144 = arith.constant 0 : index
    %get3A_145 = arith.constant 0 : index
    %get3A_146 = arith.constant 0 : index
    %get3A_147 = arith.constant 0 : index
    %get3A_148 = vector.load %arg6[%get3A_144, %get3A_145, %get3A_146, %get3A_147] : memref<1x20x64x128xf32, #tpu.memory_space<vmem>>, vector<1x20x64x128xf32>
    %reshape3A_149 = vector.shape_cast %get3A_148 : vector<1x20x64x128xf32> to vector<1280x128xf32>
    %get3A_150 = arith.constant 0 : index
    %get3A_151 = arith.constant 0 : index
    %get3A_152 = arith.constant 0 : index
    %get3A_153 = arith.constant 0 : index
    %get3A_154 = vector.load %arg11[%get3A_150, %get3A_151, %get3A_152, %get3A_153] : memref<1x20x1x128xf32, #tpu.memory_space<vmem>>, vector<1x20x1x128xf32>
    %reshape3A_155 = vector.shape_cast %get3A_154 : vector<1x20x1x128xf32> to vector<20x128xf32>
    %dot_general3A_156 = arith.constant dense<0.000000e+00> : vector<8x1280xf32>
    %dot_general3A_157 = tpu.matmul %select_n3A_143, %reshape3A_149, %dot_general3A_156 {dimension_numbers = #tpu.dot_dimension_numbers<[1], [1], [0], [0], [0, 0, 1, 0], [], []>, transpose_lhs_hint = false} : vector<8x128xf32>, vector<1280x128xf32>, vector<8x1280xf32> -> vector<8x1280xf32>
    %dot_general3A_158 = arith.constant dense<0.000000e+00> : vector<8x20xf32>
    %dot_general3A_159 = tpu.matmul %select_n3A_143, %reshape3A_155, %dot_general3A_158 {dimension_numbers = #tpu.dot_dimension_numbers<[1], [1], [0], [0], [0, 0, 1, 0], [], []>, transpose_lhs_hint = false} : vector<8x128xf32>, vector<20x128xf32>, vector<8x20xf32> -> vector<8x20xf32>
    %add3A_160 = arith.addf %add3A_116, %dot_general3A_157 : vector<8x1280xf32>
    %add3A_161 = arith.addf %add3A_117, %dot_general3A_159 : vector<8x20xf32>
    %mul3A_162 = arith.constant 8 : i32
    %mul3A_163 = arith.muli %arg0, %mul3A_162 : i32
    %add3A_164 = arith.constant 4 : i32
    %add3A_165 = arith.addi %mul3A_163, %add3A_164 : i32
    %get3A_166 = arith.index_cast %add3A_165 : i32 to index
    %get3A_167 = memref.load %arg1[%get3A_166] : memref<128xi32, #tpu.memory_space<smem>>
    %rem3A_168 = arith.constant 128 : i32
    %rem3A_169 = arith.remsi %get3A_167, %rem3A_168 : i32
    %mul3A_170 = arith.constant 8 : i32
    %mul3A_171 = arith.muli %arg0, %mul3A_170 : i32
    %add3A_172 = arith.constant 4 : i32
    %add3A_173 = arith.addi %mul3A_171, %add3A_172 : i32
    %get3A_174 = arith.index_cast %add3A_173 : i32 to index
    %get3A_175 = memref.load %arg2[%get3A_174] : memref<128xf32, #tpu.memory_space<smem>>
    %iota3A_176 = tpu.iota {dimensions = array<i32: 0>} : vector<8x128xi32>
    %eq3A_177 = arith.constant 4 : i32
    %eq3A_178 = vector.broadcast %eq3A_177 : i32 to vector<8x128xi32>
    %eq3A_179 = arith.cmpi eq, %iota3A_176, %eq3A_178 : vector<8x128xi32>
    %iota3A_180 = tpu.iota {dimensions = array<i32: 1>} : vector<8x128xi32>
    %eq3A_181 = vector.broadcast %rem3A_169 : i32 to vector<8x128xi32>
    %eq3A_182 = arith.cmpi eq, %iota3A_180, %eq3A_181 : vector<8x128xi32>
    %and3A_183 = arith.andi %eq3A_179, %eq3A_182 : vector<8x128xi1>
    %jit3A_184 = arith.constant 0.000000e+00 : f32
    %broadcast_in_dim3A_185 = vector.broadcast %get3A_175 : f32 to vector<8x128xf32>
    %broadcast_in_dim3A_186 = vector.broadcast %jit3A_184 : f32 to vector<8x128xf32>
    %select_n3A_187 = arith.select %and3A_183, %broadcast_in_dim3A_185, %broadcast_in_dim3A_186 : vector<8x128xi1>, vector<8x128xf32>
    %get3A_188 = arith.constant 0 : index
    %get3A_189 = arith.constant 0 : index
    %get3A_190 = arith.constant 0 : index
    %get3A_191 = arith.constant 0 : index
    %get3A_192 = vector.load %arg7[%get3A_188, %get3A_189, %get3A_190, %get3A_191] : memref<1x20x64x128xf32, #tpu.memory_space<vmem>>, vector<1x20x64x128xf32>
    %reshape3A_193 = vector.shape_cast %get3A_192 : vector<1x20x64x128xf32> to vector<1280x128xf32>
    %get3A_194 = arith.constant 0 : index
    %get3A_195 = arith.constant 0 : index
    %get3A_196 = arith.constant 0 : index
    %get3A_197 = arith.constant 0 : index
    %get3A_198 = vector.load %arg12[%get3A_194, %get3A_195, %get3A_196, %get3A_197] : memref<1x20x1x128xf32, #tpu.memory_space<vmem>>, vector<1x20x1x128xf32>
    %reshape3A_199 = vector.shape_cast %get3A_198 : vector<1x20x1x128xf32> to vector<20x128xf32>
    %dot_general3A_200 = arith.constant dense<0.000000e+00> : vector<8x1280xf32>
    %dot_general3A_201 = tpu.matmul %select_n3A_187, %reshape3A_193, %dot_general3A_200 {dimension_numbers = #tpu.dot_dimension_numbers<[1], [1], [0], [0], [0, 0, 1, 0], [], []>, transpose_lhs_hint = false} : vector<8x128xf32>, vector<1280x128xf32>, vector<8x1280xf32> -> vector<8x1280xf32>
    %dot_general3A_202 = arith.constant dense<0.000000e+00> : vector<8x20xf32>
    %dot_general3A_203 = tpu.matmul %select_n3A_187, %reshape3A_199, %dot_general3A_202 {dimension_numbers = #tpu.dot_dimension_numbers<[1], [1], [0], [0], [0, 0, 1, 0], [], []>, transpose_lhs_hint = false} : vector<8x128xf32>, vector<20x128xf32>, vector<8x20xf32> -> vector<8x20xf32>
    %add3A_204 = arith.addf %add3A_160, %dot_general3A_201 : vector<8x1280xf32>
    %add3A_205 = arith.addf %add3A_161, %dot_general3A_203 : vector<8x20xf32>
    %iota3A_206 = tpu.iota {dimensions = array<i32: 0>} : vector<20x1280xi32>
    %iota3A_207 = tpu.iota {dimensions = array<i32: 1>} : vector<20x1280xi32>
    %jit3A_208 = arith.constant 64 : i32
    %div3A = vector.broadcast %jit3A_208 : i32 to vector<20x1280xi32>
    %div3A_209 = arith.divsi %iota3A_207, %div3A : vector<20x1280xi32>
    %sign3A = arith.constant 0 : i32
    %sign3A_210 = vector.broadcast %sign3A : i32 to vector<20x1280xi32>
    %sign3A_211 = arith.cmpi sgt, %iota3A_207, %sign3A_210 : vector<20x1280xi32>
    %sign3A_212 = arith.extui %sign3A_211 : vector<20x1280xi1> to vector<20x1280xi32>
    %sign3A_213 = arith.constant 0 : i32
    %sign3A_214 = vector.broadcast %sign3A_213 : i32 to vector<20x1280xi32>
    %sign3A_215 = arith.cmpi slt, %iota3A_207, %sign3A_214 : vector<20x1280xi32>
    %sign3A_216 = arith.extui %sign3A_215 : vector<20x1280xi1> to vector<20x1280xi32>
    %sign3A_217 = arith.subi %sign3A_212, %sign3A_216 : vector<20x1280xi32>
    %sign3A_218 = arith.constant 0 : i32
    %sign3A_219 = arith.cmpi sgt, %jit3A_208, %sign3A_218 : i32
    %sign3A_220 = arith.extui %sign3A_219 : i1 to i32
    %sign3A_221 = arith.constant 0 : i32
    %sign3A_222 = arith.cmpi slt, %jit3A_208, %sign3A_221 : i32
    %sign3A_223 = arith.extui %sign3A_222 : i1 to i32
    %sign3A_224 = arith.subi %sign3A_220, %sign3A_223 : i32
    %ne3A = vector.broadcast %sign3A_224 : i32 to vector<20x1280xi32>
    %ne3A_225 = arith.cmpi ne, %sign3A_217, %ne3A : vector<20x1280xi32>
    %rem3A_226 = vector.broadcast %jit3A_208 : i32 to vector<20x1280xi32>
    %rem3A_227 = arith.remsi %iota3A_207, %rem3A_226 : vector<20x1280xi32>
    %ne3A_228 = arith.constant 0 : i32
    %ne3A_229 = vector.broadcast %ne3A_228 : i32 to vector<20x1280xi32>
    %ne3A_230 = arith.cmpi ne, %rem3A_227, %ne3A_229 : vector<20x1280xi32>
    %and3A_231 = arith.andi %ne3A_225, %ne3A_230 : vector<20x1280xi1>
    %sub3A = arith.constant 1 : i32
    %sub3A_232 = vector.broadcast %sub3A : i32 to vector<20x1280xi32>
    %sub3A_233 = arith.subi %div3A_209, %sub3A_232 : vector<20x1280xi32>
    %select_n3A_234 = arith.select %and3A_231, %sub3A_233, %div3A_209 : vector<20x1280xi1>, vector<20x1280xi32>
    %eq3A_235 = arith.cmpi eq, %iota3A_206, %select_n3A_234 : vector<20x1280xi32>
    %jit3A_236 = arith.constant 1.000000e+00 : f32
    %jit3A_237 = arith.constant 0.000000e+00 : f32
    %broadcast_in_dim3A_238 = vector.broadcast %jit3A_236 : f32 to vector<20x1280xf32>
    %broadcast_in_dim3A_239 = vector.broadcast %jit3A_237 : f32 to vector<20x1280xf32>
    %select_n3A_240 = arith.select %eq3A_235, %broadcast_in_dim3A_238, %broadcast_in_dim3A_239 : vector<20x1280xi1>, vector<20x1280xf32>
    %dot_general3A_241 = arith.constant dense<0.000000e+00> : vector<8x1280xf32>
    %dot_general3A_242 = tpu.matmul %add3A_205, %select_n3A_240, %dot_general3A_241 {dimension_numbers = #tpu.dot_dimension_numbers<[1], [0], [0], [1], [0, 0, 1, 1], [], []>, transpose_lhs_hint = false} : vector<8x20xf32>, vector<20x1280xf32>, vector<8x1280xf32> -> vector<8x1280xf32>
    %add3A_243 = arith.addf %add3A_204, %dot_general3A_242 : vector<8x1280xf32>
    %slice3A = vector.extract_strided_slice %add3A_243 {offsets = [0, 0], sizes = [5, 1280], strides = [1, 1]} : vector<8x1280xf32> to vector<5x1280xf32>
    %reshape3A_244 = vector.shape_cast %slice3A : vector<5x1280xf32> to vector<1x5x1280xf32>
    %swap3A = arith.constant 0 : index
    %swap3A_245 = arith.constant 0 : index
    %swap3A_246 = arith.constant 0 : index
    %swap3A_247 = vector.load %arg13[%swap3A, %swap3A_245, %swap3A_246] : memref<1x5x1280xf32, #tpu.memory_space<vmem>>, vector<1x5x1280xf32>
    tpu.vector_store %arg13[%swap3A, %swap3A_245, %swap3A_246], %reshape3A_244 {strides = array<i32>} : memref<1x5x1280xf32, #tpu.memory_space<vmem>>, vector<1x5x1280xf32>,
    return
  }
  func.func @transform_0(%arg0: i32, %arg1: memref<128xi32, #tpu.memory_space<smem>>, %arg2: memref<128xf32, #tpu.memory_space<smem>>) -> (i32, i32, i32, i32) {
    %mul3A = arith.constant 8 : i32
    %mul3A_0 = arith.muli %arg0, %mul3A : i32
    %add3A = arith.constant 0 : i32
    %add3A_1 = arith.addi %mul3A_0, %add3A : i32
    %get3A = arith.index_cast %add3A_1 : i32 to index
    %get3A_2 = memref.load %arg1[%get3A] : memref<128xi32, #tpu.memory_space<smem>>
    %jit3A = arith.constant 128 : i32
    %div3A = arith.divsi %get3A_2, %jit3A : i32
    %sign3A = arith.constant 0 : i32
    %sign3A_3 = arith.cmpi sgt, %get3A_2, %sign3A : i32
    %sign3A_4 = arith.extui %sign3A_3 : i1 to i32
    %sign3A_5 = arith.constant 0 : i32
    %sign3A_6 = arith.cmpi slt, %get3A_2, %sign3A_5 : i32
    %sign3A_7 = arith.extui %sign3A_6 : i1 to i32
    %sign3A_8 = arith.subi %sign3A_4, %sign3A_7 : i32
    %sign3A_9 = arith.constant 0 : i32
    %sign3A_10 = arith.cmpi sgt, %jit3A, %sign3A_9 : i32
    %sign3A_11 = arith.extui %sign3A_10 : i1 to i32
    %sign3A_12 = arith.constant 0 : i32
    %sign3A_13 = arith.cmpi slt, %jit3A, %sign3A_12 : i32
    %sign3A_14 = arith.extui %sign3A_13 : i1 to i32
    %sign3A_15 = arith.subi %sign3A_11, %sign3A_14 : i32
    %ne3A = arith.cmpi ne, %sign3A_8, %sign3A_15 : i32
    %rem3A = arith.remsi %get3A_2, %jit3A : i32
    %ne3A_16 = arith.constant 0 : i32
    %ne3A_17 = arith.cmpi ne, %rem3A, %ne3A_16 : i32
    %and3A = arith.andi %ne3A, %ne3A_17 : i1
    %sub3A = arith.constant 1 : i32
    %sub3A_18 = arith.subi %div3A, %sub3A : i32
    %select_n3A = arith.select %and3A, %sub3A_18, %div3A : i32
    %c0_i32 = arith.constant 0 : i32
    %c0_i32_19 = arith.constant 0 : i32
    %c0_i32_20 = arith.constant 0 : i32
    return %arg0, %c0_i32, %c0_i32_19, %select_n3A : i32, i32, i32, i32
  }
  func.func @transform_1(%arg0: i32, %arg1: memref<128xi32, #tpu.memory_space<smem>>, %arg2: memref<128xf32, #tpu.memory_space<smem>>) -> (i32, i32, i32, i32) {
    %mul3A = arith.constant 8 : i32
    %mul3A_0 = arith.muli %arg0, %mul3A : i32
    %add3A = arith.constant 1 : i32
    %add3A_1 = arith.addi %mul3A_0, %add3A : i32
    %get3A = arith.index_cast %add3A_1 : i32 to index
    %get3A_2 = memref.load %arg1[%get3A] : memref<128xi32, #tpu.memory_space<smem>>
    %jit3A = arith.constant 128 : i32
    %div3A = arith.divsi %get3A_2, %jit3A : i32
    %sign3A = arith.constant 0 : i32
    %sign3A_3 = arith.cmpi sgt, %get3A_2, %sign3A : i32
    %sign3A_4 = arith.extui %sign3A_3 : i1 to i32
    %sign3A_5 = arith.constant 0 : i32
    %sign3A_6 = arith.cmpi slt, %get3A_2, %sign3A_5 : i32
    %sign3A_7 = arith.extui %sign3A_6 : i1 to i32
    %sign3A_8 = arith.subi %sign3A_4, %sign3A_7 : i32
    %sign3A_9 = arith.constant 0 : i32
    %sign3A_10 = arith.cmpi sgt, %jit3A, %sign3A_9 : i32
    %sign3A_11 = arith.extui %sign3A_10 : i1 to i32
    %sign3A_12 = arith.constant 0 : i32
    %sign3A_13 = arith.cmpi slt, %jit3A, %sign3A_12 : i32
    %sign3A_14 = arith.extui %sign3A_13 : i1 to i32
    %sign3A_15 = arith.subi %sign3A_11, %sign3A_14 : i32
    %ne3A = arith.cmpi ne, %sign3A_8, %sign3A_15 : i32
    %rem3A = arith.remsi %get3A_2, %jit3A : i32
    %ne3A_16 = arith.constant 0 : i32
    %ne3A_17 = arith.cmpi ne, %rem3A, %ne3A_16 : i32
    %and3A = arith.andi %ne3A, %ne3A_17 : i1
    %sub3A = arith.constant 1 : i32
    %sub3A_18 = arith.subi %div3A, %sub3A : i32
    %select_n3A = arith.select %and3A, %sub3A_18, %div3A : i32
    %c0_i32 = arith.constant 0 : i32
    %c0_i32_19 = arith.constant 0 : i32
    %c0_i32_20 = arith.constant 0 : i32
    return %arg0, %c0_i32, %c0_i32_19, %select_n3A : i32, i32, i32, i32
  }
  func.func @transform_2(%arg0: i32, %arg1: memref<128xi32, #tpu.memory_space<smem>>, %arg2: memref<128xf32, #tpu.memory_space<smem>>) -> (i32, i32, i32, i32) {
    %mul3A = arith.constant 8 : i32
    %mul3A_0 = arith.muli %arg0, %mul3A : i32
    %add3A = arith.constant 2 : i32
    %add3A_1 = arith.addi %mul3A_0, %add3A : i32
    %get3A = arith.index_cast %add3A_1 : i32 to index
    %get3A_2 = memref.load %arg1[%get3A] : memref<128xi32, #tpu.memory_space<smem>>
    %jit3A = arith.constant 128 : i32
    %div3A = arith.divsi %get3A_2, %jit3A : i32
    %sign3A = arith.constant 0 : i32
    %sign3A_3 = arith.cmpi sgt, %get3A_2, %sign3A : i32
    %sign3A_4 = arith.extui %sign3A_3 : i1 to i32
    %sign3A_5 = arith.constant 0 : i32
    %sign3A_6 = arith.cmpi slt, %get3A_2, %sign3A_5 : i32
    %sign3A_7 = arith.extui %sign3A_6 : i1 to i32
    %sign3A_8 = arith.subi %sign3A_4, %sign3A_7 : i32
    %sign3A_9 = arith.constant 0 : i32
    %sign3A_10 = arith.cmpi sgt, %jit3A, %sign3A_9 : i32
    %sign3A_11 = arith.extui %sign3A_10 : i1 to i32
    %sign3A_12 = arith.constant 0 : i32
    %sign3A_13 = arith.cmpi slt, %jit3A, %sign3A_12 : i32
    %sign3A_14 = arith.extui %sign3A_13 : i1 to i32
    %sign3A_15 = arith.subi %sign3A_11, %sign3A_14 : i32
    %ne3A = arith.cmpi ne, %sign3A_8, %sign3A_15 : i32
    %rem3A = arith.remsi %get3A_2, %jit3A : i32
    %ne3A_16 = arith.constant 0 : i32
    %ne3A_17 = arith.cmpi ne, %rem3A, %ne3A_16 : i32
    %and3A = arith.andi %ne3A, %ne3A_17 : i1
    %sub3A = arith.constant 1 : i32
    %sub3A_18 = arith.subi %div3A, %sub3A : i32
    %select_n3A = arith.select %and3A, %sub3A_18, %div3A : i32
    %c0_i32 = arith.constant 0 : i32
    %c0_i32_19 = arith.constant 0 : i32
    %c0_i32_20 = arith.constant 0 : i32
    return %arg0, %c0_i32, %c0_i32_19, %select_n3A : i32, i32, i32, i32
  }
  func.func @transform_3(%arg0: i32, %arg1: memref<128xi32, #tpu.memory_space<smem>>, %arg2: memref<128xf32, #tpu.memory_space<smem>>) -> (i32, i32, i32, i32) {
    %mul3A = arith.constant 8 : i32
    %mul3A_0 = arith.muli %arg0, %mul3A : i32
    %add3A = arith.constant 3 : i32
    %add3A_1 = arith.addi %mul3A_0, %add3A : i32
    %get3A = arith.index_cast %add3A_1 : i32 to index
    %get3A_2 = memref.load %arg1[%get3A] : memref<128xi32, #tpu.memory_space<smem>>
    %jit3A = arith.constant 128 : i32
    %div3A = arith.divsi %get3A_2, %jit3A : i32
    %sign3A = arith.constant 0 : i32
    %sign3A_3 = arith.cmpi sgt, %get3A_2, %sign3A : i32
    %sign3A_4 = arith.extui %sign3A_3 : i1 to i32
    %sign3A_5 = arith.constant 0 : i32
    %sign3A_6 = arith.cmpi slt, %get3A_2, %sign3A_5 : i32
    %sign3A_7 = arith.extui %sign3A_6 : i1 to i32
    %sign3A_8 = arith.subi %sign3A_4, %sign3A_7 : i32
    %sign3A_9 = arith.constant 0 : i32
    %sign3A_10 = arith.cmpi sgt, %jit3A, %sign3A_9 : i32
    %sign3A_11 = arith.extui %sign3A_10 : i1 to i32
    %sign3A_12 = arith.constant 0 : i32
    %sign3A_13 = arith.cmpi slt, %jit3A, %sign3A_12 : i32
    %sign3A_14 = arith.extui %sign3A_13 : i1 to i32
    %sign3A_15 = arith.subi %sign3A_11, %sign3A_14 : i32
    %ne3A = arith.cmpi ne, %sign3A_8, %sign3A_15 : i32
    %rem3A = arith.remsi %get3A_2, %jit3A : i32
    %ne3A_16 = arith.constant 0 : i32
    %ne3A_17 = arith.cmpi ne, %rem3A, %ne3A_16 : i32
    %and3A = arith.andi %ne3A, %ne3A_17 : i1
    %sub3A = arith.constant 1 : i32
    %sub3A_18 = arith.subi %div3A, %sub3A : i32
    %select_n3A = arith.select %and3A, %sub3A_18, %div3A : i32
    %c0_i32 = arith.constant 0 : i32
    %c0_i32_19 = arith.constant 0 : i32
    %c0_i32_20 = arith.constant 0 : i32
    return %arg0, %c0_i32, %c0_i32_19, %select_n3A : i32, i32, i32, i32
  }
  func.func @transform_4(%arg0: i32, %arg1: memref<128xi32, #tpu.memory_space<smem>>, %arg2: memref<128xf32, #tpu.memory_space<smem>>) -> (i32, i32, i32, i32) {
    %mul3A = arith.constant 8 : i32
    %mul3A_0 = arith.muli %arg0, %mul3A : i32
    %add3A = arith.constant 4 : i32
    %add3A_1 = arith.addi %mul3A_0, %add3A : i32
    %get3A = arith.index_cast %add3A_1 : i32 to index
    %get3A_2 = memref.load %arg1[%get3A] : memref<128xi32, #tpu.memory_space<smem>>
    %jit3A = arith.constant 128 : i32
    %div3A = arith.divsi %get3A_2, %jit3A : i32
    %sign3A = arith.constant 0 : i32
    %sign3A_3 = arith.cmpi sgt, %get3A_2, %sign3A : i32
    %sign3A_4 = arith.extui %sign3A_3 : i1 to i32
    %sign3A_5 = arith.constant 0 : i32
    %sign3A_6 = arith.cmpi slt, %get3A_2, %sign3A_5 : i32
    %sign3A_7 = arith.extui %sign3A_6 : i1 to i32
    %sign3A_8 = arith.subi %sign3A_4, %sign3A_7 : i32
    %sign3A_9 = arith.constant 0 : i32
    %sign3A_10 = arith.cmpi sgt, %jit3A, %sign3A_9 : i32
    %sign3A_11 = arith.extui %sign3A_10 : i1 to i32
    %sign3A_12 = arith.constant 0 : i32
    %sign3A_13 = arith.cmpi slt, %jit3A, %sign3A_12 : i32
    %sign3A_14 = arith.extui %sign3A_13 : i1 to i32
    %sign3A_15 = arith.subi %sign3A_11, %sign3A_14 : i32
    %ne3A = arith.cmpi ne, %sign3A_8, %sign3A_15 : i32
    %rem3A = arith.remsi %get3A_2, %jit3A : i32
    %ne3A_16 = arith.constant 0 : i32
    %ne3A_17 = arith.cmpi ne, %rem3A, %ne3A_16 : i32
    %and3A = arith.andi %ne3A, %ne3A_17 : i1
    %sub3A = arith.constant 1 : i32
    %sub3A_18 = arith.subi %div3A, %sub3A : i32
    %select_n3A = arith.select %and3A, %sub3A_18, %div3A : i32
    %c0_i32 = arith.constant 0 : i32
    %c0_i32_19 = arith.constant 0 : i32
    %c0_i32_20 = arith.constant 0 : i32
    return %arg0, %c0_i32, %c0_i32_19, %select_n3A : i32, i32, i32, i32
  }
  func.func @transform_5(%arg0: i32, %arg1: memref<128xi32, #tpu.memory_space<smem>>, %arg2: memref<128xf32, #tpu.memory_space<smem>>) -> (i32, i32, i32, i32) {
    %mul3A = arith.constant 8 : i32
    %mul3A_0 = arith.muli %arg0, %mul3A : i32
    %add3A = arith.constant 0 : i32
    %add3A_1 = arith.addi %mul3A_0, %add3A : i32
    %get3A = arith.index_cast %add3A_1 : i32 to index
    %get3A_2 = memref.load %arg1[%get3A] : memref<128xi32, #tpu.memory_space<smem>>
    %jit3A = arith.constant 128 : i32
    %div3A = arith.divsi %get3A_2, %jit3A : i32
    %sign3A = arith.constant 0 : i32
    %sign3A_3 = arith.cmpi sgt, %get3A_2, %sign3A : i32
    %sign3A_4 = arith.extui %sign3A_3 : i1 to i32
    %sign3A_5 = arith.constant 0 : i32
    %sign3A_6 = arith.cmpi slt, %get3A_2, %sign3A_5 : i32
    %sign3A_7 = arith.extui %sign3A_6 : i1 to i32
    %sign3A_8 = arith.subi %sign3A_4, %sign3A_7 : i32
    %sign3A_9 = arith.constant 0 : i32
    %sign3A_10 = arith.cmpi sgt, %jit3A, %sign3A_9 : i32
    %sign3A_11 = arith.extui %sign3A_10 : i1 to i32
    %sign3A_12 = arith.constant 0 : i32
    %sign3A_13 = arith.cmpi slt, %jit3A, %sign3A_12 : i32
    %sign3A_14 = arith.extui %sign3A_13 : i1 to i32
    %sign3A_15 = arith.subi %sign3A_11, %sign3A_14 : i32
    %ne3A = arith.cmpi ne, %sign3A_8, %sign3A_15 : i32
    %rem3A = arith.remsi %get3A_2, %jit3A : i32
    %ne3A_16 = arith.constant 0 : i32
    %ne3A_17 = arith.cmpi ne, %rem3A, %ne3A_16 : i32
    %and3A = arith.andi %ne3A, %ne3A_17 : i1
    %sub3A = arith.constant 1 : i32
    %sub3A_18 = arith.subi %div3A, %sub3A : i32
    %select_n3A = arith.select %and3A, %sub3A_18, %div3A : i32
    %c0_i32 = arith.constant 0 : i32
    %c0_i32_19 = arith.constant 0 : i32
    %c0_i32_20 = arith.constant 0 : i32
    return %arg0, %c0_i32, %c0_i32_19, %select_n3A : i32, i32, i32, i32
  }
  func.func @transform_6(%arg0: i32, %arg1: memref<128xi32, #tpu.memory_space<smem>>, %arg2: memref<128xf32, #tpu.memory_space<smem>>) -> (i32, i32, i32, i32) {
    %mul3A = arith.constant 8 : i32
    %mul3A_0 = arith.muli %arg0, %mul3A : i32
    %add3A = arith.constant 1 : i32
    %add3A_1 = arith.addi %mul3A_0, %add3A : i32
    %get3A = arith.index_cast %add3A_1 : i32 to index
    %get3A_2 = memref.load %arg1[%get3A] : memref<128xi32, #tpu.memory_space<smem>>
    %jit3A = arith.constant 128 : i32
    %div3A = arith.divsi %get3A_2, %jit3A : i32
    %sign3A = arith.constant 0 : i32
    %sign3A_3 = arith.cmpi sgt, %get3A_2, %sign3A : i32
    %sign3A_4 = arith.extui %sign3A_3 : i1 to i32
    %sign3A_5 = arith.constant 0 : i32
    %sign3A_6 = arith.cmpi slt, %get3A_2, %sign3A_5 : i32
    %sign3A_7 = arith.extui %sign3A_6 : i1 to i32
    %sign3A_8 = arith.subi %sign3A_4, %sign3A_7 : i32
    %sign3A_9 = arith.constant 0 : i32
    %sign3A_10 = arith.cmpi sgt, %jit3A, %sign3A_9 : i32
    %sign3A_11 = arith.extui %sign3A_10 : i1 to i32
    %sign3A_12 = arith.constant 0 : i32
    %sign3A_13 = arith.cmpi slt, %jit3A, %sign3A_12 : i32
    %sign3A_14 = arith.extui %sign3A_13 : i1 to i32
    %sign3A_15 = arith.subi %sign3A_11, %sign3A_14 : i32
    %ne3A = arith.cmpi ne, %sign3A_8, %sign3A_15 : i32
    %rem3A = arith.remsi %get3A_2, %jit3A : i32
    %ne3A_16 = arith.constant 0 : i32
    %ne3A_17 = arith.cmpi ne, %rem3A, %ne3A_16 : i32
    %and3A = arith.andi %ne3A, %ne3A_17 : i1
    %sub3A = arith.constant 1 : i32
    %sub3A_18 = arith.subi %div3A, %sub3A : i32
    %select_n3A = arith.select %and3A, %sub3A_18, %div3A : i32
    %c0_i32 = arith.constant 0 : i32
    %c0_i32_19 = arith.constant 0 : i32
    %c0_i32_20 = arith.constant 0 : i32
    return %arg0, %c0_i32, %c0_i32_19, %select_n3A : i32, i32, i32, i32
  }
  func.func @transform_7(%arg0: i32, %arg1: memref<128xi32, #tpu.memory_space<smem>>, %arg2: memref<128xf32, #tpu.memory_space<smem>>) -> (i32, i32, i32, i32) {
    %mul3A = arith.constant 8 : i32
    %mul3A_0 = arith.muli %arg0, %mul3A : i32
    %add3A = arith.constant 2 : i32
    %add3A_1 = arith.addi %mul3A_0, %add3A : i32
    %get3A = arith.index_cast %add3A_1 : i32 to index
    %get3A_2 = memref.load %arg1[%get3A] : memref<128xi32, #tpu.memory_space<smem>>
    %jit3A = arith.constant 128 : i32
    %div3A = arith.divsi %get3A_2, %jit3A : i32
    %sign3A = arith.constant 0 : i32
    %sign3A_3 = arith.cmpi sgt, %get3A_2, %sign3A : i32
    %sign3A_4 = arith.extui %sign3A_3 : i1 to i32
    %sign3A_5 = arith.constant 0 : i32
    %sign3A_6 = arith.cmpi slt, %get3A_2, %sign3A_5 : i32
    %sign3A_7 = arith.extui %sign3A_6 : i1 to i32
    %sign3A_8 = arith.subi %sign3A_4, %sign3A_7 : i32
    %sign3A_9 = arith.constant 0 : i32
    %sign3A_10 = arith.cmpi sgt, %jit3A, %sign3A_9 : i32
    %sign3A_11 = arith.extui %sign3A_10 : i1 to i32
    %sign3A_12 = arith.constant 0 : i32
    %sign3A_13 = arith.cmpi slt, %jit3A, %sign3A_12 : i32
    %sign3A_14 = arith.extui %sign3A_13 : i1 to i32
    %sign3A_15 = arith.subi %sign3A_11, %sign3A_14 : i32
    %ne3A = arith.cmpi ne, %sign3A_8, %sign3A_15 : i32
    %rem3A = arith.remsi %get3A_2, %jit3A : i32
    %ne3A_16 = arith.constant 0 : i32
    %ne3A_17 = arith.cmpi ne, %rem3A, %ne3A_16 : i32
    %and3A = arith.andi %ne3A, %ne3A_17 : i1
    %sub3A = arith.constant 1 : i32
    %sub3A_18 = arith.subi %div3A, %sub3A : i32
    %select_n3A = arith.select %and3A, %sub3A_18, %div3A : i32
    %c0_i32 = arith.constant 0 : i32
    %c0_i32_19 = arith.constant 0 : i32
    %c0_i32_20 = arith.constant 0 : i32
    return %arg0, %c0_i32, %c0_i32_19, %select_n3A : i32, i32, i32, i32
  }
  func.func @transform_8(%arg0: i32, %arg1: memref<128xi32, #tpu.memory_space<smem>>, %arg2: memref<128xf32, #tpu.memory_space<smem>>) -> (i32, i32, i32, i32) {
    %mul3A = arith.constant 8 : i32
    %mul3A_0 = arith.muli %arg0, %mul3A : i32
    %add3A = arith.constant 3 : i32
    %add3A_1 = arith.addi %mul3A_0, %add3A : i32
    %get3A = arith.index_cast %add3A_1 : i32 to index
    %get3A_2 = memref.load %arg1[%get3A] : memref<128xi32, #tpu.memory_space<smem>>
    %jit3A = arith.constant 128 : i32
    %div3A = arith.divsi %get3A_2, %jit3A : i32
    %sign3A = arith.constant 0 : i32
    %sign3A_3 = arith.cmpi sgt, %get3A_2, %sign3A : i32
    %sign3A_4 = arith.extui %sign3A_3 : i1 to i32
    %sign3A_5 = arith.constant 0 : i32
    %sign3A_6 = arith.cmpi slt, %get3A_2, %sign3A_5 : i32
    %sign3A_7 = arith.extui %sign3A_6 : i1 to i32
    %sign3A_8 = arith.subi %sign3A_4, %sign3A_7 : i32
    %sign3A_9 = arith.constant 0 : i32
    %sign3A_10 = arith.cmpi sgt, %jit3A, %sign3A_9 : i32
    %sign3A_11 = arith.extui %sign3A_10 : i1 to i32
    %sign3A_12 = arith.constant 0 : i32
    %sign3A_13 = arith.cmpi slt, %jit3A, %sign3A_12 : i32
    %sign3A_14 = arith.extui %sign3A_13 : i1 to i32
    %sign3A_15 = arith.subi %sign3A_11, %sign3A_14 : i32
    %ne3A = arith.cmpi ne, %sign3A_8, %sign3A_15 : i32
    %rem3A = arith.remsi %get3A_2, %jit3A : i32
    %ne3A_16 = arith.constant 0 : i32
    %ne3A_17 = arith.cmpi ne, %rem3A, %ne3A_16 : i32
    %and3A = arith.andi %ne3A, %ne3A_17 : i1
    %sub3A = arith.constant 1 : i32
    %sub3A_18 = arith.subi %div3A, %sub3A : i32
    %select_n3A = arith.select %and3A, %sub3A_18, %div3A : i32
    %c0_i32 = arith.constant 0 : i32
    %c0_i32_19 = arith.constant 0 : i32
    %c0_i32_20 = arith.constant 0 : i32
    return %arg0, %c0_i32, %c0_i32_19, %select_n3A : i32, i32, i32, i32
  }
  func.func @transform_9(%arg0: i32, %arg1: memref<128xi32, #tpu.memory_space<smem>>, %arg2: memref<128xf32, #tpu.memory_space<smem>>) -> (i32, i32, i32, i32) {
    %mul3A = arith.constant 8 : i32
    %mul3A_0 = arith.muli %arg0, %mul3A : i32
    %add3A = arith.constant 4 : i32
    %add3A_1 = arith.addi %mul3A_0, %add3A : i32
    %get3A = arith.index_cast %add3A_1 : i32 to index
    %get3A_2 = memref.load %arg1[%get3A] : memref<128xi32, #tpu.memory_space<smem>>
    %jit3A = arith.constant 128 : i32
    %div3A = arith.divsi %get3A_2, %jit3A : i32
    %sign3A = arith.constant 0 : i32
    %sign3A_3 = arith.cmpi sgt, %get3A_2, %sign3A : i32
    %sign3A_4 = arith.extui %sign3A_3 : i1 to i32
    %sign3A_5 = arith.constant 0 : i32
    %sign3A_6 = arith.cmpi slt, %get3A_2, %sign3A_5 : i32
    %sign3A_7 = arith.extui %sign3A_6 : i1 to i32
    %sign3A_8 = arith.subi %sign3A_4, %sign3A_7 : i32
    %sign3A_9 = arith.constant 0 : i32
    %sign3A_10 = arith.cmpi sgt, %jit3A, %sign3A_9 : i32
    %sign3A_11 = arith.extui %sign3A_10 : i1 to i32
    %sign3A_12 = arith.constant 0 : i32
    %sign3A_13 = arith.cmpi slt, %jit3A, %sign3A_12 : i32
    %sign3A_14 = arith.extui %sign3A_13 : i1 to i32
    %sign3A_15 = arith.subi %sign3A_11, %sign3A_14 : i32
    %ne3A = arith.cmpi ne, %sign3A_8, %sign3A_15 : i32
    %rem3A = arith.remsi %get3A_2, %jit3A : i32
    %ne3A_16 = arith.constant 0 : i32
    %ne3A_17 = arith.cmpi ne, %rem3A, %ne3A_16 : i32
    %and3A = arith.andi %ne3A, %ne3A_17 : i1
    %sub3A = arith.constant 1 : i32
    %sub3A_18 = arith.subi %div3A, %sub3A : i32
    %select_n3A = arith.select %and3A, %sub3A_18, %div3A : i32
    %c0_i32 = arith.constant 0 : i32
    %c0_i32_19 = arith.constant 0 : i32
    %c0_i32_20 = arith.constant 0 : i32
    return %arg0, %c0_i32, %c0_i32_19, %select_n3A : i32, i32, i32, i32
  }
  func.func @transform_10(%arg0: i32, %arg1: memref<128xi32, #tpu.memory_space<smem>>, %arg2: memref<128xf32, #tpu.memory_space<smem>>) -> (i32, i32, i32) {
    %c0_i32 = arith.constant 0 : i32
    %c0_i32_0 = arith.constant 0 : i32
    %c0_i32_1 = arith.constant 0 : i32
    return %arg0, %c0_i32, %c0_i32_0 : i32, i32, i32
  }
}

</mosaic_0001>

<sc_bundles>
// kernel: kernel.4.cloned.1.call-start
scs
__scs_entry_jumppad:
0x0: {  	(pc) =	sbr.rel $0x88, $3  }
0x1: {  	(tag) =	ssettag $0x0;
	lr =	simm.s32 $0x1  }
0x2: {  	[smem:$0x3F9E] =	sst lr;
	_ =	strace $0xD0000000  }
0x3: {  	_ = 	snop  }
0x4: {  	_ = 	snop  }
0x5: {  	_ = 	snop  }
0x6: {  	_ = 	snop  }
0x7: {  	_ = 	snop  }
__scs_overlays_trampoline_lowered:
0x8: {  	[smem:$0x3FAD] =	sst s0  }
0x9: {  	[smem:$0x3FAE] =	sst s1  }
0xa: {  	[smem:$0x3FAF] =	sst s2  }
0xb: {  	[smem:$0x3FB0] =	sst s3  }
0xc: {  	[smem:$0x3FB1] =	sst s4  }
0xd: {  	[smem:$0x3FB2] =	sst s5  }
0xe: {  	[smem:$0x3FB3] =	sst s6  }
0xf: {  	[smem:$0x3FB4] =	sst s7  }
0x10: {  	[smem:$0x3FB5] =	sst s8  }
0x11: {  	[smem:$0x3FB6] =	sst s9;
	s0 =	simm.s32 @!p0 $0x0  }
0x12: {  	s1 =	sld [smem:$0x3F9C];
	s0 =	simm.s32 @p0 $0x1  }
0x13: {  	[smem:$0x3FB7] =	sst s0;
	s0 =	simm.s32 @!p1 $0x0  }
0x14: {  	s2 =	sld [smem:$0x3F9B];
	s0 =	simm.s32 @p1 $0x1  }
0x15: {  	[smem:$0x3FB8] =	sst s0;
	s0 =	simm.s32 @!p2 $0x0  }
0x16: {  	s3 =	sld [smem:$0x3FDB];
	s0 =	simm.s32 @p2 $0x1  }
0x17: {  	s4 =	simm.s32 $0x1BF5;
	[smem:$0x3FBA] =	sst s0  }
0x18: {  	s0 =	sld [smem:$0x3F9D];
	_ =	swait.ge [sflag:s4], $0x0  }
0x19: {  	s7 =	sld [smem:$0x3F9E]  }
0x1a: {  	s8 =	sadd.s32 $0xFFFFE003, lr  }
0x1b: {  	s9 =	sadd.s32 $0xFFFFFEF7, lr;
	s5 =	simm.s32 $0xFFFFFFFF;
	p2 =	slt.u32 s8, $0xFFFFF086  }
0x1c: {  	p1 =	slt.u32 s9, $0xF7A;
	s5 =	simm.s32 @!p2 $0x0  }
0x1d: {  	s5 =	simm.s32 @p1 $0x1;
	p0 =	seq.s32 s7, s2  }
0x1e: {  	s7 =	smul.u32 @!p0 $0xF7A, s2;
	p2 =	seq.s32 @!p0 s5, $0x0  }
0x1f: {  	s9 =	smul.u32 $0xF7A, s1;
	s8 =	simm.s32 @!p0 $0x1BF5;
	p2 =	por !p2, p0  }
0x20: {  	[sflag:s8] =	ssyncset.s32 @!p0 $0xFFFFF086;
	s6 =	sadd.s32 @!p0 s3, s7;
	s7 =	simm.s32 @!p0 $0x108  }
0x21: {  	s3 =	sadd.s32 s3, s9;
	s6 =	sadd.s32 @!p0 $0x88, s6;
	s7 =	simm.s32 @p2 $0x1082  }
0x22: {  	[simem:s7], [sflag:s8] =	dma.local @!p0 [hbm:s6], $0xF7A  }
0x23: {  	s9 =	sor.u32 $0xD0000000, s2;
	s6 =	simm.s32 $0x108;
	_ =	swait.ge @!p0 [sflag:s8], $0x0  }
0x24: {  	s3 =	sadd.s32 $0x88, s3;
	s6 =	simm.s32 @!p1 $0x1082;
	[sflag:s4] =	ssyncset.s32 $0xFFFFF086  }
0x25: {  	[simem:s6], [sflag:s4] =	dma.local [hbm:s3], $0xF7A  }
0x26: {  	[smem:$0x3F9E] =	sst s1;
	(tag) =	ssettag s2;
	_ =	strace s9  }
0x27: {  	s1 =	sld [smem:$0x3FAE]  }
0x28: {  	s2 =	sld [smem:$0x3FAF]  }
0x29: {  	s4 =	sld [smem:$0x3FB1]  }
0x2a: {  	p0 =	seq.s32 s5, $0x0;
	s5 =	sld [smem:$0x3FB2]  }
0x2b: {  	s6 =	sld [smem:$0x3FB3]  }
0x2c: {  	s7 =	sld [smem:$0x3FB4]  }
0x2d: {  	s3 =	simm.s32 $0x108;
	s8 =	sld [smem:$0x3FB5]  }
0x2e: {  	s3 =	simm.s32 @!p0 $0x1082;
	s9 =	sld [smem:$0x3FB6]  }
0x2f: {  	lr =	sadd.s32 s0, s3;
	s0 =	sld [smem:$0x3FAD]  }
0x30: {  	s3 =	sld [smem:$0x3FB0]  }
0x31: {  	[smem:$0x3FB9] =	sst s10  }
0x32: {  	s10 =	sld [smem:$0x3FB7];
	_ =	sdelay $0x3  }
0x33: {  	p0 =	seq.s32 s10, $0x1;
	s10 =	sld [smem:$0x3FB9];
	_ =	sdelay $0x3  }
0x34: {  	[smem:$0x3FB9] =	sst s10  }
0x35: {  	s10 =	sld [smem:$0x3FB8];
	_ =	sdelay $0x3  }
0x36: {  	p1 =	seq.s32 s10, $0x1;
	s10 =	sld [smem:$0x3FB9];
	_ =	sdelay $0x3  }
0x37: {  	[smem:$0x3FB9] =	sst s10  }
0x38: {  	s10 =	sld [smem:$0x3FBA]  }
0x39: {  	_ = 	snop;
	(pc) =	sbr.ind lr, $3  }
0x3a: {  	_ = 	snop  }
0x3b: {  	_ = 	snop  }
0x3c: {  	p2 =	seq.s32 s10, $0x1;
	s10 =	sld [smem:$0x3FB9]  }
0x3d: {  	_ =	shalt  }
0x3e: {  	_ =	shalt  }
0x3f: {  	_ =	shalt  }
0x40: {  	_ =	shalt  }
0x41: {  	_ =	shalt  }
0x42: {  	_ =	shalt  }
0x43: {  	_ =	shalt  }
0x44: {  	_ =	shalt  }
0x45: {  	_ =	shalt  }
0x46: {  	_ =	shalt  }
0x47: {  	_ =	shalt  }
0x48: {  	_ =	shalt  }
0x49: {  	_ =	shalt  }
0x4a: {  	_ =	shalt  }
0x4b: {  	_ =	shalt  }
0x4c: {  	_ =	shalt  }
0x4d: {  	_ =	shalt  }
0x4e: {  	_ =	shalt  }
0x4f: {  	_ =	shalt  }
0x50: {  	_ =	shalt  }
0x51: {  	_ =	shalt  }
0x52: {  	_ =	shalt  }
0x53: {  	_ =	shalt  }
0x54: {  	_ =	shalt  }
0x55: {  	_ =	shalt  }
0x56: {  	_ =	shalt  }
0x57: {  	_ =	shalt  }
0x58: {  	_ =	shalt  }
0x59: {  	_ =	shalt  }
0x5a: {  	_ =	shalt  }
0x5b: {  	_ =	shalt  }
0x5c: {  	_ =	shalt  }
0x5d: {  	_ =	shalt  }
0x5e: {  	_ =	shalt  }
0x5f: {  	_ =	shalt  }
0x60: {  	_ =	shalt  }
0x61: {  	_ =	shalt  }
0x62: {  	_ =	shalt  }
0x63: {  	_ =	shalt  }
0x64: {  	_ =	shalt  }
0x65: {  	_ =	shalt  }
0x66: {  	_ =	shalt  }
0x67: {  	_ =	shalt  }
0x68: {  	_ =	shalt  }
0x69: {  	_ =	shalt  }
0x6a: {  	_ =	shalt  }
0x6b: {  	_ =	shalt  }
0x6c: {  	_ =	shalt  }
0x6d: {  	_ =	shalt  }
0x6e: {  	_ =	shalt  }
0x6f: {  	_ =	shalt  }
0x70: {  	_ =	shalt  }
0x71: {  	_ =	shalt  }
0x72: {  	_ =	shalt  }
0x73: {  	_ =	shalt  }
0x74: {  	_ =	shalt  }
0x75: {  	_ =	shalt  }
0x76: {  	_ =	shalt  }
0x77: {  	_ =	shalt  }
0x78: {  	_ =	shalt  }
0x79: {  	_ =	shalt  }
0x7a: {  	_ =	shalt  }
0x7b: {  	_ =	shalt  }
0x7c: {  	_ =	shalt  }
0x7d: {  	_ =	shalt  }
0x7e: {  	_ =	shalt  }
0x7f: {  	_ =	shalt  }
0x80: {  	_ =	shalt  }
0x81: {  	_ =	shalt  }
0x82: {  	_ =	shalt  }
0x83: {  	_ =	shalt  }
0x84: {  	_ =	shalt  }
0x85: {  	_ =	shalt  }
0x86: {  	_ =	shalt  }
0x87: {  	_ =	shalt  }
.Lfunc_end0:
.L_simem_size_0:
called_computation_lowered:
.L_overlay_start_0:
0x88: {  	s2 =	sld [smem:$0x3FD9]  }
0x89: {  	s3 =	sld [smem:$0x3FFE];
	_ =	sdelay $0x1  }
0x8a: {  	s1 =	srdreg.scid  }
0x8b: {  	s0 =	sand.u32 $0x1, s1  }
0x8c: {  	s17 =	sshll.u32 s0, $0xA;
	s2 =	sadd.s32 s3, s2  }
0x8d: {  	s2 =	sadd.s32 s2, s17  }
0x8e: {  	[smem:$0x3FC5] =	sst s2  }
0x8f: {  	_ = 	snop  }
0x90: {  	s2 =	sld [smem:$0x3FD0];
	(tm) =	ssettm $0x1  }
0x91: {  	s18 =	sld [smem:$0x3FFB];
	_ =	sdelay $0x3  }
0x92: {  	_ =	strace s18  }
0x93: {  	s3 =	sld [smem:$0x3FFC];
	_ =	sdelay $0x3  }
0x94: {  	_ =	strace s3  }
0x95: {  	s3 =	sld [smem:$0x3FFD];
	_ =	sdelay $0x3  }
0x96: {  	_ =	strace s3  }
0x97: {  	_ =	strace $0x8FFFFFFF  }
0x98: {  	s19 =	sld [smem:$0x3FDB];
	_ =	sdelay $0x1  }
0x99: {  	s4 =	simm.s32 $_scs_section_size  }
0x9a: {  	s5 =	simm.s32 $_size__tile_overlayer_lowered;
	s6 =	simm.s32 $_tile_overlayer_lowered  }
0x9b: {  	s22 =	simm.s32 $0x1BFF;
	s21 =	sshll.u32 s6, $0x1;
	s3 =	sadd.s32 s4, s19  }
0x9c: {  	s7 =	simm.s32 $0x0;
	s20 =	sshll.u32 s5, $0x1;
	s5 =	sadd.s32 s21, s3  }
0x9d: {  	[timem:s7], [sflag:s22] =	dma.local [hbm:s5], s20  }
0x9e: {  	_ =	swait.ge [sflag:s22], s20  }
0x9f: {  	s4 =	ssub.s32 $0x0, s20;
	[sflag:s22] =	ssyncset.done $0x0  }
0xa0: {  	[sflag:s22] =	ssyncadd.s32 s4;
	_ =	sdelay $0x1  }
0xa1: {  	s23 =	simm.s32 $0x1B8B  }
0xa2: {  	_ =	swait.ge [sflag:s23], $0x1  }
0xa3: {  	[sflag:s23] =	ssyncset.done $0x0  }
0xa4: {  	s25 =	simm.s32 $0x1B8E;
	s24 =	sld [smem:$0x3FFE];
	[sflag:s23] =	ssyncadd.s32 $0xFFFFFFFF  }
0xa5: {  	s26 =	simm.s32 $execute0_lowered;
	[smem:$0x3FD2] =	sst s25  }
0xa6: {  	s5 =	sshll.u32 s26, $0x1;
	_ =	strace $0x80000046;
	[dreg:$0x1] =	wrdreg $0xFFFFFFFF  }
0xa7: {  	s28 =	simm.s32 $_size_execute0_lowered;
	s3 =	sadd.s32 s3, s5;
	[dreg:$0x0] =	wrdreg $0x0  }
0xa8: {  	s5 =	sshll.u32 s28, $0x1;
	[dreg:$0x2] =	wrdreg s3  }
0xa9: {  	[dreg:$0x3] =	wrdreg s5  }
0xaa: {  	[dreg:$0x4] =	wrdreg $0xC0  }
0xab: {  	_ =	task [dreg:s7], $0x5FFFF  }
0xac: {  	[dreg:$0x1] =	wrdreg $0xFFFFFFFF  }
0xad: {  	[dreg:$0x0] =	wrdreg $0x60  }
0xae: {  	[dreg:$0x2] =	wrdreg s2  }
0xaf: {  	[dreg:$0x3] =	wrdreg s24  }
0xb0: {  	[dreg:$0x4] =	wrdreg $0x9  }
0xb1: {  	_ =	task.clear_ibuf [dreg:s7], $0x5FFFF;
	_ =	strace $0x90000046  }
0xb2: {  	s29 =	simm.s32 $0x9;
	_ =	strace $0x80000048  }
0xb3: {  	_ =	swait.ge [sflag:s29], $0x1  }
0xb4: {  	[sflag:s29] =	ssyncadd.s32 $0xFFFFFFFF  }
0xb5: {  	_ =	strace $0x90000048  }
0xb6: {  	_ =	sfence  }
0xb7: {  	s30 =	sld [smem:$0x0];
	_ =	sdelay $0x2  }
0xb8: {  	s31 =	sshll.u32 s1, $0xD;
	s1 =	sshrl.u32 s1, $0x2  }
0xb9: {  	s3 =	sand.u32 $0x4000, s31;
	s1 =	sadd.s32 s1, s30  }
0xba: {  	s0 =	sor.u32 s3, s0;
	s1 =	sshll.u32 s1, $0x11  }
0xbb: {  	s0 =	sor.u32 s1, s0  }
0xbc: {  	s0 =	sadd.s32 $0x8F2B, s0  }
0xbd: {  	[sflag:s0] =	ssyncadd.remote.s32 $0x1  }
0xbe: {  	_ =	sfence.sel $0xFFFF  }
0xbf: {  	[dreg:$0x0] =	wrdreg $0xFFFFFFFF;
	(pc) =	sbr.abs _section_cstart, $3  }
0xc0: {  	[dreg:$0x1] =	wrdreg $0xFFFFFFFF  }
0xc1: {  	_ =	task.clear_ibuf [dreg:s7], $0x2FFFF;
	_ =	strace $0x9FFFFFFF  }
0xc2: {  	(tm) =	ssettm $0x7FFFFFFF  }
0xc3: {  	_ =	shalt  }
tec
execute0_lowered:
.L_overlay_start_1:
0x0: {  	(tag) =	ssettag $0x1  }
0x1: {  	s1 =	stileid.u32  }
0x2: {  	p0 =	sgt.u32 s1, $0x7  }
.Ltmp0:
0x3: {  	_ = 	snop;
	(pc) =	sbr.rel @p0 .LBB2_7-.Ltmp0, $4  }
0x4: {  	s5 =	rddreg [dreg:$0x0]  }
0x5: {  	s3 =	rddreg [dreg:$0x1];
	s2 =	simm.s32 $0x0  }
0x6: {  	[smem:$0x7FF] =	sst s2  }
0x7: {  	s0 =	rddreg [dreg:$0x2];
	_ =	strace $0x80000047  }
0x8: {  	v0 =	vimm.s32 $0x80F;
	vm0 =	vcmask $0x1714  }
0x9: {  	v0 =	vsel vm0, $0x805, v0;
	vm0 =	vcmask $0x1B18  }
0xa: {  	v0 =	vsel vm0, $0x806, v0;
	vm0 =	vcmask $0x1F1C  }
0xb: {  	s4 =	srdreg.scid;
	v0 =	vsel vm0, $0x807, v0;
	vm0 =	vcmask $0x2320  }
0xc: {  	s4 =	sand.u32 $0x1, s4;
	v0 =	vsel vm0, $0x808, v0;
	vm0 =	vcmask $0x2724  }
0xd: {  	s6 =	sshll.u32 s4, $0x3;
	v0 =	vsel vm0, $0x809, v0;
	vm0 =	vcmask $0x2B28  }
0xe: {  	s10 =	simm.s32 $0x0;
	s8 =	ssub.s32 $0x2, s4;
	s6 =	sadd.s32 s1, s6;
	v0 =	vsel vm0, $0x80A, v0;
	vm0 =	vcmask $0x2F2C  }
0xf: {  	s11 =	simm.s32 $0x0;
	s9 =	sshrl.u32 s8, $0x1;
	s7 =	sadd.s32 s6, s3;
	v0 =	vsel vm0, $0x80B, v0;
	vm0 =	vcmask $0x3330  }
0x10: {  	s31 =	ssub.s32 s8, s9;
	s6 =	sshll.u32 s6, $0x8;
	s8 =	simm.s32 $0x800;
	v1 =	vsel vm0, $0x80C, v0;
	vm0 =	vcmask $0x3734  }
0x11: {  	s9 =	simm.s32 $0x808;
	s3 =	sadd.s32 $0xE00, s7;
	s4 =	sadd.s32 $0x1000, s7;
	v0 =	vlaneseq.u32;
	v2 =	vsel vm0, $0x80D, v1;
	vm0 =	vcmask $0x3B38  }
0x12: {  	s5 =	sadd.s32 s5, s6;
	s6 =	smax.u32 s31, $0x1;
	s7 =	simm.s32 $0x1;
	v1 =	vimm.f32 $-Inf;
	v2 =	vsel vm0, $0x80E, v2;
	vm0 =	vmmov $0x1f  }
.LBB2_2:
0x13: {  	[tilespmem:s11], [sflag:$0x1] =	stream.linear.gather [hbm4b:s5+s11], $0x800, $0x38;
	[tilespmem:$0x810] =	vst v63  }
0x14: {  	_ =	swait.ge [sflag:s7], $0x800  }
0x15: {  	[sflag:s7] =	ssyncset.done $0x0  }
0x16: {  	v3 =	vimm.f32 $0.0e+00;
	v4 =	vimm.s32 $0x0;
	s12 =	simm.s32 $0x0;
	[sflag:s7] =	ssyncadd.s32 $0xFFFFF800  }
.LBB2_3:
0x17: {  	s14 =	simm.s32 $0x20  }
0x18: {  	v17 =	vld [tilespmem:s14+$0xFFFFFFE0]  }
0x19: {  	v5 =	vld [tilespmem:s14+$0xFFFFFFF0]  }
0x1a: {  	v6 =	vld [tilespmem:s14+$0x0]  }
0x1b: {  	v7 =	vimm.f32 $-Inf;
	v16 =	vor.u32 s11, v0;
	v11 =	vimm.s32 $0x0;
	v12 =	vld [tilespmem:s14+$0x10]  }
0x1c: {  	s13 =	simm.s32 $0x40;
	s16 =	simm.s32 $0x10;
	v8 =	vimm.f32 $-Inf;
	v9 =	vimm.f32 $-Inf;
	v10 =	vimm.f32 $-Inf  }
0x1d: {  	s17 =	simm.s32 $0x20;
	s15 =	simm.s32 $0x60;
	v13 =	vimm.s32 $0x0;
	v14 =	vimm.s32 $0x0;
	v15 =	vimm.s32 $0x0;
	s14 =	simm.s32 $0x0  }
.LBB2_4:
0x1e: {  	v18 =	vld [tilespmem:s15+$0xFFFFFFE0];
	vm1 =	vgt.f32 v17, v7;
	v19 =	vor.u32 s16, v0;
	v20 =	vor.u32 s17, v0;
	s16 =	sadd.s32 $0x30, s14;
	v21 =	vmovc v5;
	s14 =	smov.u32 s13;
	p0 =	sne.s32 s13, $0x7C0  }
.Ltmp1:
0x1f: {  	v5 =	vld [tilespmem:s15+$0xFFFFFFF0];
	v7 =	vsel vm1, v17, v7;
	v11 =	vsel vm1, v16, v11;
	v16 =	vor.u32 s16, v0;
	v17 =	vmovc v6;
	(pc) =	sbr.rel @p0 .LBB2_4-.Ltmp1, $4  }
0x20: {  	vm1 =	vgt.f32 v21, v8;
	v6 =	vld [tilespmem:s15+$0x0];
	vm2 =	vgt.f32 v17, v9;
	vm3 =	vgt.f32 v12, v10  }
0x21: {  	s13 =	sadd.s32 $0x40, s13;
	v8 =	vsel vm1, v21, v8;
	v9 =	vsel vm2, v17, v9;
	v10 =	vsel vm3, v12, v10;
	v12 =	vld [tilespmem:s15+$0x10]  }
0x22: {  	v13 =	vsel vm1, v19, v13;
	v14 =	vsel vm2, v20, v14;
	v15 =	vsel vm3, v16, v15  }
0x23: {  	s16 =	sadd.s32 $0x10, s14;
	s17 =	sadd.s32 $0x20, s14;
	v16 =	vor.u32 s14, v0;
	s15 =	sadd.s32 $0x40, s15;
	v17 =	vmov v18  }
0x24: {  	vm1 =	vgt.f32 v17, v7;
	v18 =	vor.u32 s16, v0;
	v19 =	vor.u32 s17, v0;
	s13 =	sadd.s32 $0x30, s14  }
0x25: {  	v7 =	vsel vm1, v17, v7;
	v11 =	vsel vm1, v16, v11;
	v58 =	vor.u32 s13, v0  }
0x26: {  	vm1 =	vgt.f32 v5, v8;
	vm2 =	vgt.f32 v6, v9;
	vm3 =	vgt.f32 v12, v10  }
0x27: {  	v5 =	vsel vm1, v5, v8;
	v6 =	vsel vm2, v6, v9;
	v60 =	vsel vm1, v18, v13  }
0x28: {  	v61 =	vsel vm2, v19, v14;
	v59 =	vsel vm3, v12, v10;
	v62 =	vsel vm3, v58, v15  }
0x29: {  	vm1 =	vgt.f32 v5, v7;
	vm2 =	veq.f32 v5, v7;
	vm3 =	vlt.s32 v60, v11  }
0x2a: {  	vm2 =	vmand vm2, vm3;
	vm3 =	veq.f32 v59, v6;
	vm4 =	vlt.s32 v62, v61  }
0x2b: {  	vm1 =	vmor vm1, vm2;
	vm2 =	vmand vm3, vm4;
	vm3 =	vgt.f32 v59, v6  }
0x2c: {  	v5 =	vsel vm1, v5, v7;
	vm2 =	vmor vm3, vm2  }
0x2d: {  	v7 =	vsel vm1, v60, v11;
	v6 =	vsel vm2, v59, v6;
	v63 =	vsel vm2, v62, v61  }
0x2e: {  	vm1 =	veq.f32 v6, v5;
	vm2 =	vlt.s32 v63, v7  }
0x2f: {  	vm3 =	vgt.f32 v6, v5;
	vm1 =	vmand vm1, vm2  }
0x30: {  	vm1 =	vmor vm3, vm1  }
0x31: {  	v5 =	vsel vm1, v6, v5  }
0x32: {  	(xrf0) =	vmax.scan.msk.f32 $0xffff, v5;
	_ =	sdelay $0x5  }
0x33: {  	v6, _, _ =	vpop (xrf0)  }
0x34: {  	v6 =	vbroadcast v6, $0xF  }
0x35: {  	v7 =	vsel vm1, v63, v7  }
0x36: {  	vm1 =	veq.f32 v5, v6;
	v5 =	vxor.u32 $0x80000000, v7  }
0x37: {  	v5 =	vnsel vm1, $0x80000800, v5  }
0x38: {  	(xrf0) =	vmin.scan.msk.u32 $0xffff, v5;
	_ =	sdelay $0x5  }
0x39: {  	v5, _, _ =	vpop (xrf0)  }
0x3a: {  	(v2sf) =	vpush v5, $0xF;
	_ =	sdelay $0xe  }
0x3b: {  	s31 =	spop (v2sf)  }
0x3c: {  	v7 =	vmov s12;
	s12 =	sadd.s32 $0x1, s12;
	s13 =	sxor.u32 $0x80000000, s31  }
0x3d: {  	p0 =	sne.s32 s12, $0x5;
	v5 =	vmov s13  }
.Ltmp2:
0x3e: {  	_ = 	snop;
	(pc) =	sbr.rel @p0 .LBB2_3-.Ltmp2, $3  }
0x3f: {  	_ =	sdelay $0x1  }
0x40: {  	vm1 =	veq.s32 v7, v0  }
0x41: {  	v3 =	vsel vm1, v6, v3;
	v4 =	vsel vm1, s13, v4;
	[tilespmem:v5+s2+$0x0] =	vst.idx.msk $0x1, v1  }
0x42: {  	v4 =	vsel vm0, v4, v2  }
0x43: {  	v4 =	vxor.u32 $0x80000000, v4  }
0x44: {  	(xrf1) =	vsort.ascd.msk.u32 $0xffff, v4, v3;
	_ =	sdelay $0xd  }
0x45: {  	v3, v4, _ =	vpop (xrf1)  }
0x46: {  	v5 =	vnsel vm0, $0xFF800000, v4  }
0x47: {  	(xrf0) =	vmax.scan.msk.f32 $0xffff, v5;
	_ =	sdelay $0x5  }
0x48: {  	v5, _, _ =	vpop (xrf0)  }
0x49: {  	v5 =	vbroadcast v5, $0xF;
	_ =	sdelay $0x1  }
0x4a: {  	v4 =	vsub.f32 v4, v5;
	_ =	sdelay $0x1  }
0x4b: {  	v4 =	vmul.f32 $1.442695020e+00, v4;
	_ =	sdelay $0x1  }
0x4c: {  	(erf) = vpow2.f32 v4;
	_ =	sdelay $0x8  }
0x4d: {  	v4 =	vpop (erf)  }
0x4e: {  	v4 =	vnsel vm0, $0x0, v4  }
0x4f: {  	(xrf2) =	vadd.scan.msk.f32 $0xffff, v4;
	_ =	sdelay $0x9  }
0x50: {  	v63, _, _ =	vpop (xrf2)  }
0x51: {  	v5 =	vbroadcast v63, $0xF;
	_ =	sdelay $0x1  }
0x52: {  	(erf) = vrcp.f32 v5;
	_ =	sdelay $0x8  }
0x53: {  	v3 =	vxor.u32 $0x80000000, v3;
	v5 =	vpop (erf)  }
0x54: {  	v3 =	vnsel vm0, $0x0, v3;
	v4 =	vmul.f32 v5, v4  }
0x55: {  	[tilespmem:v0+s8+$0x0] =	vst.idx.msk $0xff, v3  }
0x56: {  	[tilespmem:v0+s9+$0x0] =	vst.idx.msk $0xff, v4  }
0x57: {  	[hbm4b:s3+s2] =	stream.linear.scatter [tilespmem:s8], [sflag:$0x1], $0x8, $0x38;
	[tilespmem:$0x810] =	vst v63  }
0x58: {  	s10 =	sadd.s32 $0x1, s10;
	_ =	swait.ge [sflag:s7], $0x8  }
0x59: {  	p0 =	sne.s32 s10, s6;
	[sflag:s7] =	ssyncset.done $0x0  }
.Ltmp3:
0x5a: {  	[sflag:s7] =	ssyncadd.s32 $0xFFFFFFF8;
	(pc) =	sbr.rel @p0 .LBB2_2-.Ltmp3, $4  }
0x5b: {  	[hbm4b:s4+s2] =	stream.linear.scatter [tilespmem:s9], [sflag:$0x1], $0x8, $0x38;
	[tilespmem:$0x810] =	vst v63  }
0x5c: {  	_ =	swait.ge [sflag:s7], $0x8  }
0x5d: {  	[sflag:s7] =	ssyncset.done $0x0  }
0x5e: {  	[sflag:s7] =	ssyncadd.s32 $0xFFFFFFF8  }
.LBB2_7:
0x5f: {  	_ =	sfence.sel $0x180000  }
0x60: {  	[bflag:$0x0] =	sbarrier.arrive $0xFFFF  }
0x61: {  	p0 =	sne.s32 s1, $0x0;
	_ =	strace $0x90000047  }
0x62: {  	s0 =	sadd.s32 @!p0 $0x100000, s0;
	[bflag:$0x2] =	sbarrier.arrive $0xFFFF  }
0x63: {  	[sflag:s0] =	ssyncadd.tile.s32 @!p0 $0x1;
	_ =	shalt  }
.Lfunc_end2:
_tile_overlayer_lowered:
.L_overlay_start_2:
0x64: {  	(tag) =	ssettag $0x2  }
0x65: {  	s0 =	rddreg [dreg:$0x0];
	s2 =	stileid.u32  }
0x66: {  	s1 =	rddreg [dreg:$0x1];
	p0 =	sne.s32 s2, $0x0  }
0x67: {  	s3 =	rddreg [dreg:$0x2];
	[bflag:$0x3] =	sbarrier.arrive $0xFFFF;
	s2 =	simm.s32 @!p0 $0x1C01  }
0x68: {  	[timem:s3], [sflag:s2] =	dma.local @!p0 [hbm:s0], s1  }
0x69: {  	s0 =	simm.s32 @!p0 $0x1  }
0x6a: {  	_ =	swait.ge @!p0 [sflag:s0], s1  }
0x6b: {  	s1 =	ssub.s32 @!p0 $0x0, s1;
	[sflag:s0] =	ssyncset.done @!p0 $0x0  }
0x6c: {  	[sflag:s0] =	ssyncadd.s32 @!p0 s1  }
0x6d: {  	[bflag:$0x3] =	sbarrier.arrive $0xFFFF  }
0x6e: {  	_ =	shalt  }

</sc_bundles>
